<compile_context>
chip_gen: v7x
topology: tpu7x:2x2x1
jax: 0.10.2.dev20260603
libtpu: 0.0.44.dev20260713+nightly
codegen_flags: <defaults>
</compile_context>

<pallas_src>
import functools

import jax
import jax.numpy as jnp
from jax import lax
from jax.experimental import pallas as pl
from jax.experimental.pallas import tpu as pltpu
from jax.experimental.pallas import tpu_sc as plsc

NUM_CORES = 2
NUM_SUBCORES = 16
NUM_WORKERS = NUM_CORES * NUM_SUBCORES

LANES = 16
CHUNK = 128
GRP = 8
NBUF = 2


def _build_sc_gather(total_rows: int, features: int):
    assert total_rows % (NUM_WORKERS * CHUNK) == 0
    rows_per_w = total_rows // NUM_WORKERS
    chunks_per_w = rows_per_w // CHUNK
    n_chunks = total_rows // CHUNK
    halves = features // LANES
    shift = (features - 1).bit_length()

    mesh = plsc.VectorSubcoreMesh(
        core_axis_name="c", subcore_axis_name="s",
        num_cores=NUM_CORES, num_subcores=NUM_SUBCORES)

    @functools.partial(
        pl.kernel,
        out_type=jax.ShapeDtypeStruct((n_chunks, CHUNK * 2, LANES),
                                      jnp.float32),
        mesh=mesh,
        scratch_types=[
            pltpu.VMEM((rows_per_w,), jnp.int32),
            pltpu.VMEM((NBUF, CHUNK * 2, LANES), jnp.float32),
            [[pltpu.SemaphoreType.DMA] * 4] * NBUF,
            [pltpu.SemaphoreType.DMA] * NBUF,
        ],
        compiler_params=pltpu.CompilerParams(use_tc_tiling_on_sc=False,
                                             needs_layout_passes=False),
    )
    def sc_gather(idx_hbm, tab_hbm, out_hbm, idx_v, buf, gsems, wsems):
        wid = lax.axis_index("s") * NUM_CORES + lax.axis_index("c")
        chunk0 = wid * chunks_per_w
        pltpu.sync_copy(idx_hbm.at[wid], idx_v)
        iota = lax.iota(jnp.int32, LANES)

        def fire_chunk(j, b):
            base = j * CHUNK

            @pl.loop(0, CHUNK // 32)
            def _(g):
                for q in range(4):
                    r0 = g * 32 + q * 8
                    pos = base + r0 + lax.shift_right_logical(iota, 1)
                    idxg = plsc.load_gather(idx_v, [pos])
                    o = lax.shift_left(idxg, 1) + lax.rem(iota, 2)
                    pltpu.async_copy(
                        tab_hbm.at[plsc.Indices(o, ignored_value=-1)],
                        buf.at[b, pl.ds(r0 * 2, 16)],
                        gsems[b][q], priority=1)

        def drain_chunk(b):
            @pl.loop(0, CHUNK // 32)
            def _(g):
                for q in range(4):
                    pltpu.make_async_copy(
                        tab_hbm.at[iota], buf.at[b, pl.ds(0, 16)],
                        gsems[b][q]).wait()

        def wait_write(b):
            pltpu.make_async_copy(buf.at[b], out_hbm.at[chunk0],
                                  wsems[b]).wait()

        for b in range(NBUF):
            fire_chunk(b, b)

        @pl.loop(0, chunks_per_w // NBUF)
        def _(jo):
            j0 = jo * NBUF
            for b in range(NBUF):
                drain_chunk(b)
                pltpu.async_copy(buf.at[b], out_hbm.at[chunk0 + j0 + b],
                                 wsems[b])
            for b in range(NBUF):
                nj = j0 + NBUF + b

                @pl.when(nj < chunks_per_w)
                def _():
                    wait_write(b)
                    fire_chunk(nj, b)

        for b in range(NBUF):
            wait_write(b)

    return sc_gather


def kernel(inputs, embedding):
    b, s = inputs.shape
    total = b * s
    feats = embedding.shape[1]
    idx2d = inputs.reshape(NUM_WORKERS, -1).astype(jnp.int32)
    gather = _build_sc_gather(total, feats)
    out = gather(idx2d, embedding.reshape(-1, LANES))
    return out.reshape(b, s, feats)

# --- scband reference (transcript-rebuilt; emitter-appended) ---
"""Pipeline reference for scband-embed-62921270886508 (READ-ONLY COPY).

The authoritative reference and input builder live on the scoring server;
editing this copy changes nothing except your own understanding.
"""

import jax, jax.numpy as jnp
import numpy as np

NUM_EMBEDDINGS = 1000000
FEATURES = 32

def setup_inputs(seed: int = 0) -> dict:
    key = jax.random.key(seed)
    k_idx, k_emb = jax.random.split(key)
    inputs = jax.random.randint(k_idx, (4096, 50), 0, NUM_EMBEDDINGS, dtype=jnp.int64 if jax.config.read('jax_enable_x64') else jnp.int32)
    embedding = jax.random.normal(k_emb, (NUM_EMBEDDINGS, FEATURES), dtype=jnp.float32) * 0.02
    return {"inputs": inputs, "embedding": embedding}

def reference(inputs, embedding):
    # Faithful translation of flax Embed.__call__ with one_hot=False:
    # output = jnp.asarray(embedding, dtype)[inputs]
    output = jnp.asarray(embedding, jnp.float32)[inputs]
    return output

if __name__ == "__main__":
    import jax
    _d = setup_inputs()
    print(jax.jit(kernel)(*tuple(_d.values())))

</pallas_src>

<mosaic_0001>
#map = affine_map<(d0, d1) -> (0, 0)>
#map1 = affine_map<(d0, d1) -> (0, 0, 0)>
module attributes {stable_mosaic.version = 14 : i64} {
  func.func @sc_gather(%arg0: i32, %arg1: i32, %arg2: memref<32x6400xi32, #tpu.memory_space<hbm>>, %arg3: memref<2000000x16xf32, #tpu.memory_space<hbm>>, %arg4: memref<1600x256x16xf32, #tpu.memory_space<hbm>>, %arg5: memref<6400xi32, #tpu.memory_space<vmem>>, %arg6: memref<2x256x16xf32, #tpu.memory_space<vmem>>, %arg7: memref<!tpu.dma_semaphore, #tpu.memory_space<semaphore_mem>>, %arg8: memref<!tpu.dma_semaphore, #tpu.memory_space<semaphore_mem>>, %arg9: memref<!tpu.dma_semaphore, #tpu.memory_space<semaphore_mem>>, %arg10: memref<!tpu.dma_semaphore, #tpu.memory_space<semaphore_mem>>, %arg11: memref<!tpu.dma_semaphore, #tpu.memory_space<semaphore_mem>>, %arg12: memref<!tpu.dma_semaphore, #tpu.memory_space<semaphore_mem>>, %arg13: memref<!tpu.dma_semaphore, #tpu.memory_space<semaphore_mem>>, %arg14: memref<!tpu.dma_semaphore, #tpu.memory_space<semaphore_mem>>, %arg15: memref<!tpu.dma_semaphore, #tpu.memory_space<semaphore_mem>>, %arg16: memref<!tpu.dma_semaphore, #tpu.memory_space<semaphore_mem>>) attributes {dimension_semantics = [#tpu.dimension_semantics<core_parallel>, #tpu.dimension_semantics<subcore_parallel>], iteration_bounds = array<i64: 2, 16>, scalar_prefetch = 0 : i64, scratch_operands = 12 : i64, tpu.core_type = #tpu.core_type<sc_vector_subcore>, window_params = [{transform_indices = #map}, {transform_indices = #map}, {transform_indices = #map1}]} {
    %mul3A = arith.constant 2 : i32
    %mul3A_0 = arith.muli %arg1, %mul3A : i32
    %add3A = arith.addi %mul3A_0, %arg0 : i32
    %mul3A_1 = arith.constant 50 : i32
    %mul3A_2 = arith.muli %add3A, %mul3A_1 : i32
    "tpu.region"() ({
      %run_scoped3A = tpu.sem_alloc : memref<!tpu.dma_semaphore, #tpu.memory_space<semaphore_mem>>
      %dma_start3A = arith.constant 0 : i32
      %dma_start3A_50 = tpu.memref_slice %arg2[%add3A, %dma_start3A] : memref<32x6400xi32, #tpu.memory_space<hbm>> -> memref<1x6400xi32, #tpu.memory_space<hbm>>
      %dma_start3A_51 = tpu.memref_squeeze %dma_start3A_50 : memref<1x6400xi32, #tpu.memory_space<hbm>> -> memref<6400xi32, #tpu.memory_space<hbm>>
      %dma_start3A_52 = arith.constant 0 : i32
      %dma_start3A_53 = tpu.memref_slice %arg2[%add3A, %dma_start3A_52] : memref<32x6400xi32, #tpu.memory_space<hbm>> -> memref<1x6400xi32, #tpu.memory_space<hbm>>
      %dma_start3A_54 = tpu.memref_squeeze %dma_start3A_53 : memref<1x6400xi32, #tpu.memory_space<hbm>> -> memref<6400xi32, #tpu.memory_space<hbm>>
      tpu.enqueue_dma source(%dma_start3A_54 : memref<6400xi32, #tpu.memory_space<hbm>>) target(%arg5 : memref<6400xi32, #tpu.memory_space<vmem>>) target_semaphore(%run_scoped3A : memref<!tpu.dma_semaphore, #tpu.memory_space<semaphore_mem>>)
      %dma_wait3A_55 = arith.constant 0 : i32
      %dma_wait3A_56 = tpu.memref_slice %arg2[%add3A, %dma_wait3A_55] : memref<32x6400xi32, #tpu.memory_space<hbm>> -> memref<1x6400xi32, #tpu.memory_space<hbm>>
      %dma_wait3A_57 = tpu.memref_squeeze %dma_wait3A_56 : memref<1x6400xi32, #tpu.memory_space<hbm>> -> memref<6400xi32, #tpu.memory_space<hbm>>
      %dma_wait3A_58 = arith.constant 0 : i32
      %dma_wait3A_59 = tpu.memref_slice %arg2[%add3A, %dma_wait3A_58] : memref<32x6400xi32, #tpu.memory_space<hbm>> -> memref<1x6400xi32, #tpu.memory_space<hbm>>
      %dma_wait3A_60 = tpu.memref_squeeze %dma_wait3A_59 : memref<1x6400xi32, #tpu.memory_space<hbm>> -> memref<6400xi32, #tpu.memory_space<hbm>>
      tpu.wait_dma2 semaphore(%run_scoped3A : memref<!tpu.dma_semaphore, #tpu.memory_space<semaphore_mem>>) src(%dma_wait3A_60 : memref<6400xi32, #tpu.memory_space<hbm>>) dst(%arg5 : memref<6400xi32, #tpu.memory_space<vmem>>)
      tpu.yield
    }) : () -> ()
    %iota3A = tpu.iota {dimensions = array<i32: 0>} : vector<16xi32>
    %scan3A = arith.constant 0 : i32
    %scan3A_3 = arith.constant 4 : i32
    %scan3A_4 = arith.addi %scan3A, %scan3A_3 : i32
    %scan3A_5 = arith.constant 1 : i32
    scf.for %scan3A_50 = %scan3A to %scan3A_4 step %scan3A_5  : i32 {
      %mul3A_51 = arith.constant 1 : i32
      %mul3A_52 = arith.muli %scan3A_50, %mul3A_51 : i32
      %add3A_53 = arith.constant 0 : i32
      %add3A_54 = arith.addi %add3A_53, %mul3A_52 : i32
      %mul3A_55 = arith.constant 32 : i32
      %mul3A_56 = arith.muli %add3A_54, %mul3A_55 : i32
      %add3A_57 = arith.constant 0 : i32
      %add3A_58 = arith.addi %mul3A_56, %add3A_57 : i32
      %add3A_59 = arith.constant 0 : i32
      %add3A_60 = arith.addi %add3A_59, %add3A_58 : i32
      %shift_right_logical3A = arith.constant 1 : i32
      %shift_right_logical3A_61 = vector.broadcast %shift_right_logical3A : i32 to vector<16xi32>
      %shift_right_logical3A_62 = arith.shrui %iota3A, %shift_right_logical3A_61 : vector<16xi32>
      %add3A_63 = vector.broadcast %add3A_60 : i32 to vector<16xi32>
      %add3A_64 = arith.addi %add3A_63, %shift_right_logical3A_62 : vector<16xi32>
      %gather3A = tpu.vector_load_idx %arg5[%add3A_64] : memref<6400xi32, #tpu.memory_space<vmem>>[vector<16xi32>], vector<16xi32>,
      %shift_left3A = arith.constant 1 : i32
      %shift_left3A_65 = vector.broadcast %shift_left3A : i32 to vector<16xi32>
      %shift_left3A_66 = arith.shli %gather3A, %shift_left3A_65 : vector<16xi32>
      %rem3A = arith.constant 2 : i32
      %rem3A_67 = vector.broadcast %rem3A : i32 to vector<16xi32>
      %rem3A_68 = arith.remsi %iota3A, %rem3A_67 : vector<16xi32>
      %add3A_69 = arith.addi %shift_left3A_66, %rem3A_68 : vector<16xi32>
      %mul3A_70 = arith.constant 2 : i32
      %mul3A_71 = arith.muli %add3A_58, %mul3A_70 : i32
      %dma_start3A = arith.constant 0 : i32
      %dma_start3A_72 = arith.constant 0 : i32
      %dma_start3A_73 = tpu.memref_slice %arg6[%dma_start3A, %mul3A_71, %dma_start3A_72] : memref<2x256x16xf32, #tpu.memory_space<vmem>> -> memref<1x16x16xf32, #tpu.memory_space<vmem>>
      %dma_start3A_74 = tpu.memref_squeeze %dma_start3A_73 : memref<1x16x16xf32, #tpu.memory_space<vmem>> -> memref<16x16xf32, #tpu.memory_space<vmem>>
      %dma_start3A_75 = arith.constant 0 : i32
      %dma_start3A_76 = arith.constant 0 : i32
      %dma_start3A_77 = tpu.memref_slice %arg3[%dma_start3A_75, %dma_start3A_76] : memref<2000000x16xf32, #tpu.memory_space<hbm>> -> memref<2000000x16xf32, #tpu.memory_space<hbm>>
      %dma_start3A_78 = arith.constant -1 : i32
      tpu.enqueue_indirect_dma source(%dma_start3A_77 : memref<2000000x16xf32, #tpu.memory_space<hbm>>) target(%dma_start3A_74 : memref<16x16xf32, #tpu.memory_space<vmem>>) offsets(%add3A_69 : vector<16xi32>) offset_filter(%dma_start3A_78) semaphore(%arg7 : memref<!tpu.dma_semaphore, #tpu.memory_space<semaphore_mem>>)
      %mul3A_79 = arith.constant 32 : i32
      %mul3A_80 = arith.muli %add3A_54, %mul3A_79 : i32
      %add3A_81 = arith.constant 8 : i32
      %add3A_82 = arith.addi %mul3A_80, %add3A_81 : i32
      %add3A_83 = arith.constant 0 : i32
      %add3A_84 = arith.addi %add3A_83, %add3A_82 : i32
      %shift_right_logical3A_85 = arith.constant 1 : i32
      %shift_right_logical3A_86 = vector.broadcast %shift_right_logical3A_85 : i32 to vector<16xi32>
      %shift_right_logical3A_87 = arith.shrui %iota3A, %shift_right_logical3A_86 : vector<16xi32>
      %add3A_88 = vector.broadcast %add3A_84 : i32 to vector<16xi32>
      %add3A_89 = arith.addi %add3A_88, %shift_right_logical3A_87 : vector<16xi32>
      %gather3A_90 = tpu.vector_load_idx %arg5[%add3A_89] : memref<6400xi32, #tpu.memory_space<vmem>>[vector<16xi32>], vector<16xi32>,
      %shift_left3A_91 = arith.constant 1 : i32
      %shift_left3A_92 = vector.broadcast %shift_left3A_91 : i32 to vector<16xi32>
      %shift_left3A_93 = arith.shli %gather3A_90, %shift_left3A_92 : vector<16xi32>
      %rem3A_94 = arith.constant 2 : i32
      %rem3A_95 = vector.broadcast %rem3A_94 : i32 to vector<16xi32>
      %rem3A_96 = arith.remsi %iota3A, %rem3A_95 : vector<16xi32>
      %add3A_97 = arith.addi %shift_left3A_93, %rem3A_96 : vector<16xi32>
      %mul3A_98 = arith.constant 2 : i32
      %mul3A_99 = arith.muli %add3A_82, %mul3A_98 : i32
      %dma_start3A_100 = arith.constant 0 : i32
      %dma_start3A_101 = arith.constant 0 : i32
      %dma_start3A_102 = tpu.memref_slice %arg6[%dma_start3A_100, %mul3A_99, %dma_start3A_101] : memref<2x256x16xf32, #tpu.memory_space<vmem>> -> memref<1x16x16xf32, #tpu.memory_space<vmem>>
      %dma_start3A_103 = tpu.memref_squeeze %dma_start3A_102 : memref<1x16x16xf32, #tpu.memory_space<vmem>> -> memref<16x16xf32, #tpu.memory_space<vmem>>
      %dma_start3A_104 = arith.constant 0 : i32
      %dma_start3A_105 = arith.constant 0 : i32
      %dma_start3A_106 = tpu.memref_slice %arg3[%dma_start3A_104, %dma_start3A_105] : memref<2000000x16xf32, #tpu.memory_space<hbm>> -> memref<2000000x16xf32, #tpu.memory_space<hbm>>
      %dma_start3A_107 = arith.constant -1 : i32
      tpu.enqueue_indirect_dma source(%dma_start3A_106 : memref<2000000x16xf32, #tpu.memory_space<hbm>>) target(%dma_start3A_103 : memref<16x16xf32, #tpu.memory_space<vmem>>) offsets(%add3A_97 : vector<16xi32>) offset_filter(%dma_start3A_107) semaphore(%arg8 : memref<!tpu.dma_semaphore, #tpu.memory_space<semaphore_mem>>)
      %mul3A_108 = arith.constant 32 : i32
      %mul3A_109 = arith.muli %add3A_54, %mul3A_108 : i32
      %add3A_110 = arith.constant 16 : i32
      %add3A_111 = arith.addi %mul3A_109, %add3A_110 : i32
      %add3A_112 = arith.constant 0 : i32
      %add3A_113 = arith.addi %add3A_112, %add3A_111 : i32
      %shift_right_logical3A_114 = arith.constant 1 : i32
      %shift_right_logical3A_115 = vector.broadcast %shift_right_logical3A_114 : i32 to vector<16xi32>
      %shift_right_logical3A_116 = arith.shrui %iota3A, %shift_right_logical3A_115 : vector<16xi32>
      %add3A_117 = vector.broadcast %add3A_113 : i32 to vector<16xi32>
      %add3A_118 = arith.addi %add3A_117, %shift_right_logical3A_116 : vector<16xi32>
      %gather3A_119 = tpu.vector_load_idx %arg5[%add3A_118] : memref<6400xi32, #tpu.memory_space<vmem>>[vector<16xi32>], vector<16xi32>,
      %shift_left3A_120 = arith.constant 1 : i32
      %shift_left3A_121 = vector.broadcast %shift_left3A_120 : i32 to vector<16xi32>
      %shift_left3A_122 = arith.shli %gather3A_119, %shift_left3A_121 : vector<16xi32>
      %rem3A_123 = arith.constant 2 : i32
      %rem3A_124 = vector.broadcast %rem3A_123 : i32 to vector<16xi32>
      %rem3A_125 = arith.remsi %iota3A, %rem3A_124 : vector<16xi32>
      %add3A_126 = arith.addi %shift_left3A_122, %rem3A_125 : vector<16xi32>
      %mul3A_127 = arith.constant 2 : i32
      %mul3A_128 = arith.muli %add3A_111, %mul3A_127 : i32
      %dma_start3A_129 = arith.constant 0 : i32
      %dma_start3A_130 = arith.constant 0 : i32
      %dma_start3A_131 = tpu.memref_slice %arg6[%dma_start3A_129, %mul3A_128, %dma_start3A_130] : memref<2x256x16xf32, #tpu.memory_space<vmem>> -> memref<1x16x16xf32, #tpu.memory_space<vmem>>
      %dma_start3A_132 = tpu.memref_squeeze %dma_start3A_131 : memref<1x16x16xf32, #tpu.memory_space<vmem>> -> memref<16x16xf32, #tpu.memory_space<vmem>>
      %dma_start3A_133 = arith.constant 0 : i32
      %dma_start3A_134 = arith.constant 0 : i32
      %dma_start3A_135 = tpu.memref_slice %arg3[%dma_start3A_133, %dma_start3A_134] : memref<2000000x16xf32, #tpu.memory_space<hbm>> -> memref<2000000x16xf32, #tpu.memory_space<hbm>>
      %dma_start3A_136 = arith.constant -1 : i32
      tpu.enqueue_indirect_dma source(%dma_start3A_135 : memref<2000000x16xf32, #tpu.memory_space<hbm>>) target(%dma_start3A_132 : memref<16x16xf32, #tpu.memory_space<vmem>>) offsets(%add3A_126 : vector<16xi32>) offset_filter(%dma_start3A_136) semaphore(%arg9 : memref<!tpu.dma_semaphore, #tpu.memory_space<semaphore_mem>>)
      %mul3A_137 = arith.constant 32 : i32
      %mul3A_138 = arith.muli %add3A_54, %mul3A_137 : i32
      %add3A_139 = arith.constant 24 : i32
      %add3A_140 = arith.addi %mul3A_138, %add3A_139 : i32
      %add3A_141 = arith.constant 0 : i32
      %add3A_142 = arith.addi %add3A_141, %add3A_140 : i32
      %shift_right_logical3A_143 = arith.constant 1 : i32
      %shift_right_logical3A_144 = vector.broadcast %shift_right_logical3A_143 : i32 to vector<16xi32>
      %shift_right_logical3A_145 = arith.shrui %iota3A, %shift_right_logical3A_144 : vector<16xi32>
      %add3A_146 = vector.broadcast %add3A_142 : i32 to vector<16xi32>
      %add3A_147 = arith.addi %add3A_146, %shift_right_logical3A_145 : vector<16xi32>
      %gather3A_148 = tpu.vector_load_idx %arg5[%add3A_147] : memref<6400xi32, #tpu.memory_space<vmem>>[vector<16xi32>], vector<16xi32>,
      %shift_left3A_149 = arith.constant 1 : i32
      %shift_left3A_150 = vector.broadcast %shift_left3A_149 : i32 to vector<16xi32>
      %shift_left3A_151 = arith.shli %gather3A_148, %shift_left3A_150 : vector<16xi32>
      %rem3A_152 = arith.constant 2 : i32
      %rem3A_153 = vector.broadcast %rem3A_152 : i32 to vector<16xi32>
      %rem3A_154 = arith.remsi %iota3A, %rem3A_153 : vector<16xi32>
      %add3A_155 = arith.addi %shift_left3A_151, %rem3A_154 : vector<16xi32>
      %mul3A_156 = arith.constant 2 : i32
      %mul3A_157 = arith.muli %add3A_140, %mul3A_156 : i32
      %dma_start3A_158 = arith.constant 0 : i32
      %dma_start3A_159 = arith.constant 0 : i32
      %dma_start3A_160 = tpu.memref_slice %arg6[%dma_start3A_158, %mul3A_157, %dma_start3A_159] : memref<2x256x16xf32, #tpu.memory_space<vmem>> -> memref<1x16x16xf32, #tpu.memory_space<vmem>>
      %dma_start3A_161 = tpu.memref_squeeze %dma_start3A_160 : memref<1x16x16xf32, #tpu.memory_space<vmem>> -> memref<16x16xf32, #tpu.memory_space<vmem>>
      %dma_start3A_162 = arith.constant 0 : i32
      %dma_start3A_163 = arith.constant 0 : i32
      %dma_start3A_164 = tpu.memref_slice %arg3[%dma_start3A_162, %dma_start3A_163] : memref<2000000x16xf32, #tpu.memory_space<hbm>> -> memref<2000000x16xf32, #tpu.memory_space<hbm>>
      %dma_start3A_165 = arith.constant -1 : i32
      tpu.enqueue_indirect_dma source(%dma_start3A_164 : memref<2000000x16xf32, #tpu.memory_space<hbm>>) target(%dma_start3A_161 : memref<16x16xf32, #tpu.memory_space<vmem>>) offsets(%add3A_155 : vector<16xi32>) offset_filter(%dma_start3A_165) semaphore(%arg10 : memref<!tpu.dma_semaphore, #tpu.memory_space<semaphore_mem>>)
    }
    %scan3A_6 = arith.constant 4 : i32
    %scan3A_7 = arith.constant 0 : i32
    %scan3A_8 = arith.constant 4 : i32
    %scan3A_9 = arith.addi %scan3A_7, %scan3A_8 : i32
    %scan3A_10 = arith.constant 1 : i32
    scf.for %scan3A_50 = %scan3A_7 to %scan3A_9 step %scan3A_10  : i32 {
      %mul3A_51 = arith.constant 1 : i32
      %mul3A_52 = arith.muli %scan3A_50, %mul3A_51 : i32
      %add3A_53 = arith.constant 0 : i32
      %add3A_54 = arith.addi %add3A_53, %mul3A_52 : i32
      %mul3A_55 = arith.constant 32 : i32
      %mul3A_56 = arith.muli %add3A_54, %mul3A_55 : i32
      %add3A_57 = arith.constant 0 : i32
      %add3A_58 = arith.addi %mul3A_56, %add3A_57 : i32
      %add3A_59 = arith.constant 128 : i32
      %add3A_60 = arith.addi %add3A_59, %add3A_58 : i32
      %shift_right_logical3A = arith.constant 1 : i32
      %shift_right_logical3A_61 = vector.broadcast %shift_right_logical3A : i32 to vector<16xi32>
      %shift_right_logical3A_62 = arith.shrui %iota3A, %shift_right_logical3A_61 : vector<16xi32>
      %add3A_63 = vector.broadcast %add3A_60 : i32 to vector<16xi32>
      %add3A_64 = arith.addi %add3A_63, %shift_right_logical3A_62 : vector<16xi32>
      %gather3A = tpu.vector_load_idx %arg5[%add3A_64] : memref<6400xi32, #tpu.memory_space<vmem>>[vector<16xi32>], vector<16xi32>,
      %shift_left3A = arith.constant 1 : i32
      %shift_left3A_65 = vector.broadcast %shift_left3A : i32 to vector<16xi32>
      %shift_left3A_66 = arith.shli %gather3A, %shift_left3A_65 : vector<16xi32>
      %rem3A = arith.constant 2 : i32
      %rem3A_67 = vector.broadcast %rem3A : i32 to vector<16xi32>
      %rem3A_68 = arith.remsi %iota3A, %rem3A_67 : vector<16xi32>
      %add3A_69 = arith.addi %shift_left3A_66, %rem3A_68 : vector<16xi32>
      %mul3A_70 = arith.constant 2 : i32
      %mul3A_71 = arith.muli %add3A_58, %mul3A_70 : i32
      %dma_start3A = arith.constant 1 : i32
      %dma_start3A_72 = arith.constant 0 : i32
      %dma_start3A_73 = tpu.memref_slice %arg6[%dma_start3A, %mul3A_71, %dma_start3A_72] : memref<2x256x16xf32, #tpu.memory_space<vmem>> -> memref<1x16x16xf32, #tpu.memory_space<vmem>>
      %dma_start3A_74 = tpu.memref_squeeze %dma_start3A_73 : memref<1x16x16xf32, #tpu.memory_space<vmem>> -> memref<16x16xf32, #tpu.memory_space<vmem>>
      %dma_start3A_75 = arith.constant 0 : i32
      %dma_start3A_76 = arith.constant 0 : i32
      %dma_start3A_77 = tpu.memref_slice %arg3[%dma_start3A_75, %dma_start3A_76] : memref<2000000x16xf32, #tpu.memory_space<hbm>> -> memref<2000000x16xf32, #tpu.memory_space<hbm>>
      %dma_start3A_78 = arith.constant -1 : i32
      tpu.enqueue_indirect_dma source(%dma_start3A_77 : memref<2000000x16xf32, #tpu.memory_space<hbm>>) target(%dma_start3A_74 : memref<16x16xf32, #tpu.memory_space<vmem>>) offsets(%add3A_69 : vector<16xi32>) offset_filter(%dma_start3A_78) semaphore(%arg11 : memref<!tpu.dma_semaphore, #tpu.memory_space<semaphore_mem>>)
      %mul3A_79 = arith.constant 32 : i32
      %mul3A_80 = arith.muli %add3A_54, %mul3A_79 : i32
      %add3A_81 = arith.constant 8 : i32
      %add3A_82 = arith.addi %mul3A_80, %add3A_81 : i32
      %add3A_83 = arith.constant 128 : i32
      %add3A_84 = arith.addi %add3A_83, %add3A_82 : i32
      %shift_right_logical3A_85 = arith.constant 1 : i32
      %shift_right_logical3A_86 = vector.broadcast %shift_right_logical3A_85 : i32 to vector<16xi32>
      %shift_right_logical3A_87 = arith.shrui %iota3A, %shift_right_logical3A_86 : vector<16xi32>
      %add3A_88 = vector.broadcast %add3A_84 : i32 to vector<16xi32>
      %add3A_89 = arith.addi %add3A_88, %shift_right_logical3A_87 : vector<16xi32>
      %gather3A_90 = tpu.vector_load_idx %arg5[%add3A_89] : memref<6400xi32, #tpu.memory_space<vmem>>[vector<16xi32>], vector<16xi32>,
      %shift_left3A_91 = arith.constant 1 : i32
      %shift_left3A_92 = vector.broadcast %shift_left3A_91 : i32 to vector<16xi32>
      %shift_left3A_93 = arith.shli %gather3A_90, %shift_left3A_92 : vector<16xi32>
      %rem3A_94 = arith.constant 2 : i32
      %rem3A_95 = vector.broadcast %rem3A_94 : i32 to vector<16xi32>
      %rem3A_96 = arith.remsi %iota3A, %rem3A_95 : vector<16xi32>
      %add3A_97 = arith.addi %shift_left3A_93, %rem3A_96 : vector<16xi32>
      %mul3A_98 = arith.constant 2 : i32
      %mul3A_99 = arith.muli %add3A_82, %mul3A_98 : i32
      %dma_start3A_100 = arith.constant 1 : i32
      %dma_start3A_101 = arith.constant 0 : i32
      %dma_start3A_102 = tpu.memref_slice %arg6[%dma_start3A_100, %mul3A_99, %dma_start3A_101] : memref<2x256x16xf32, #tpu.memory_space<vmem>> -> memref<1x16x16xf32, #tpu.memory_space<vmem>>
      %dma_start3A_103 = tpu.memref_squeeze %dma_start3A_102 : memref<1x16x16xf32, #tpu.memory_space<vmem>> -> memref<16x16xf32, #tpu.memory_space<vmem>>
      %dma_start3A_104 = arith.constant 0 : i32
      %dma_start3A_105 = arith.constant 0 : i32
      %dma_start3A_106 = tpu.memref_slice %arg3[%dma_start3A_104, %dma_start3A_105] : memref<2000000x16xf32, #tpu.memory_space<hbm>> -> memref<2000000x16xf32, #tpu.memory_space<hbm>>
      %dma_start3A_107 = arith.constant -1 : i32
      tpu.enqueue_indirect_dma source(%dma_start3A_106 : memref<2000000x16xf32, #tpu.memory_space<hbm>>) target(%dma_start3A_103 : memref<16x16xf32, #tpu.memory_space<vmem>>) offsets(%add3A_97 : vector<16xi32>) offset_filter(%dma_start3A_107) semaphore(%arg12 : memref<!tpu.dma_semaphore, #tpu.memory_space<semaphore_mem>>)
      %mul3A_108 = arith.constant 32 : i32
      %mul3A_109 = arith.muli %add3A_54, %mul3A_108 : i32
      %add3A_110 = arith.constant 16 : i32
      %add3A_111 = arith.addi %mul3A_109, %add3A_110 : i32
      %add3A_112 = arith.constant 128 : i32
      %add3A_113 = arith.addi %add3A_112, %add3A_111 : i32
      %shift_right_logical3A_114 = arith.constant 1 : i32
      %shift_right_logical3A_115 = vector.broadcast %shift_right_logical3A_114 : i32 to vector<16xi32>
      %shift_right_logical3A_116 = arith.shrui %iota3A, %shift_right_logical3A_115 : vector<16xi32>
      %add3A_117 = vector.broadcast %add3A_113 : i32 to vector<16xi32>
      %add3A_118 = arith.addi %add3A_117, %shift_right_logical3A_116 : vector<16xi32>
      %gather3A_119 = tpu.vector_load_idx %arg5[%add3A_118] : memref<6400xi32, #tpu.memory_space<vmem>>[vector<16xi32>], vector<16xi32>,
      %shift_left3A_120 = arith.constant 1 : i32
      %shift_left3A_121 = vector.broadcast %shift_left3A_120 : i32 to vector<16xi32>
      %shift_left3A_122 = arith.shli %gather3A_119, %shift_left3A_121 : vector<16xi32>
      %rem3A_123 = arith.constant 2 : i32
      %rem3A_124 = vector.broadcast %rem3A_123 : i32 to vector<16xi32>
      %rem3A_125 = arith.remsi %iota3A, %rem3A_124 : vector<16xi32>
      %add3A_126 = arith.addi %shift_left3A_122, %rem3A_125 : vector<16xi32>
      %mul3A_127 = arith.constant 2 : i32
      %mul3A_128 = arith.muli %add3A_111, %mul3A_127 : i32
      %dma_start3A_129 = arith.constant 1 : i32
      %dma_start3A_130 = arith.constant 0 : i32
      %dma_start3A_131 = tpu.memref_slice %arg6[%dma_start3A_129, %mul3A_128, %dma_start3A_130] : memref<2x256x16xf32, #tpu.memory_space<vmem>> -> memref<1x16x16xf32, #tpu.memory_space<vmem>>
      %dma_start3A_132 = tpu.memref_squeeze %dma_start3A_131 : memref<1x16x16xf32, #tpu.memory_space<vmem>> -> memref<16x16xf32, #tpu.memory_space<vmem>>
      %dma_start3A_133 = arith.constant 0 : i32
      %dma_start3A_134 = arith.constant 0 : i32
      %dma_start3A_135 = tpu.memref_slice %arg3[%dma_start3A_133, %dma_start3A_134] : memref<2000000x16xf32, #tpu.memory_space<hbm>> -> memref<2000000x16xf32, #tpu.memory_space<hbm>>
      %dma_start3A_136 = arith.constant -1 : i32
      tpu.enqueue_indirect_dma source(%dma_start3A_135 : memref<2000000x16xf32, #tpu.memory_space<hbm>>) target(%dma_start3A_132 : memref<16x16xf32, #tpu.memory_space<vmem>>) offsets(%add3A_126 : vector<16xi32>) offset_filter(%dma_start3A_136) semaphore(%arg13 : memref<!tpu.dma_semaphore, #tpu.memory_space<semaphore_mem>>)
      %mul3A_137 = arith.constant 32 : i32
      %mul3A_138 = arith.muli %add3A_54, %mul3A_137 : i32
      %add3A_139 = arith.constant 24 : i32
      %add3A_140 = arith.addi %mul3A_138, %add3A_139 : i32
      %add3A_141 = arith.constant 128 : i32
      %add3A_142 = arith.addi %add3A_141, %add3A_140 : i32
      %shift_right_logical3A_143 = arith.constant 1 : i32
      %shift_right_logical3A_144 = vector.broadcast %shift_right_logical3A_143 : i32 to vector<16xi32>
      %shift_right_logical3A_145 = arith.shrui %iota3A, %shift_right_logical3A_144 : vector<16xi32>
      %add3A_146 = vector.broadcast %add3A_142 : i32 to vector<16xi32>
      %add3A_147 = arith.addi %add3A_146, %shift_right_logical3A_145 : vector<16xi32>
      %gather3A_148 = tpu.vector_load_idx %arg5[%add3A_147] : memref<6400xi32, #tpu.memory_space<vmem>>[vector<16xi32>], vector<16xi32>,
      %shift_left3A_149 = arith.constant 1 : i32
      %shift_left3A_150 = vector.broadcast %shift_left3A_149 : i32 to vector<16xi32>
      %shift_left3A_151 = arith.shli %gather3A_148, %shift_left3A_150 : vector<16xi32>
      %rem3A_152 = arith.constant 2 : i32
      %rem3A_153 = vector.broadcast %rem3A_152 : i32 to vector<16xi32>
      %rem3A_154 = arith.remsi %iota3A, %rem3A_153 : vector<16xi32>
      %add3A_155 = arith.addi %shift_left3A_151, %rem3A_154 : vector<16xi32>
      %mul3A_156 = arith.constant 2 : i32
      %mul3A_157 = arith.muli %add3A_140, %mul3A_156 : i32
      %dma_start3A_158 = arith.constant 1 : i32
      %dma_start3A_159 = arith.constant 0 : i32
      %dma_start3A_160 = tpu.memref_slice %arg6[%dma_start3A_158, %mul3A_157, %dma_start3A_159] : memref<2x256x16xf32, #tpu.memory_space<vmem>> -> memref<1x16x16xf32, #tpu.memory_space<vmem>>
      %dma_start3A_161 = tpu.memref_squeeze %dma_start3A_160 : memref<1x16x16xf32, #tpu.memory_space<vmem>> -> memref<16x16xf32, #tpu.memory_space<vmem>>
      %dma_start3A_162 = arith.constant 0 : i32
      %dma_start3A_163 = arith.constant 0 : i32
      %dma_start3A_164 = tpu.memref_slice %arg3[%dma_start3A_162, %dma_start3A_163] : memref<2000000x16xf32, #tpu.memory_space<hbm>> -> memref<2000000x16xf32, #tpu.memory_space<hbm>>
      %dma_start3A_165 = arith.constant -1 : i32
      tpu.enqueue_indirect_dma source(%dma_start3A_164 : memref<2000000x16xf32, #tpu.memory_space<hbm>>) target(%dma_start3A_161 : memref<16x16xf32, #tpu.memory_space<vmem>>) offsets(%add3A_155 : vector<16xi32>) offset_filter(%dma_start3A_165) semaphore(%arg14 : memref<!tpu.dma_semaphore, #tpu.memory_space<semaphore_mem>>)
    }
    %scan3A_11 = arith.constant 4 : i32
    %scan3A_12 = arith.constant 0 : i32
    %scan3A_13 = arith.constant 25 : i32
    %scan3A_14 = arith.addi %scan3A_12, %scan3A_13 : i32
    %scan3A_15 = arith.constant 1 : i32
    scf.for %scan3A_50 = %scan3A_12 to %scan3A_14 step %scan3A_15  : i32 {
      %mul3A_51 = arith.constant 1 : i32
      %mul3A_52 = arith.muli %scan3A_50, %mul3A_51 : i32
      %add3A_53 = arith.constant 0 : i32
      %add3A_54 = arith.addi %add3A_53, %mul3A_52 : i32
      %mul3A_55 = arith.constant 2 : i32
      %mul3A_56 = arith.muli %add3A_54, %mul3A_55 : i32
      %scan3A_57 = arith.constant 0 : i32
      %scan3A_58 = arith.constant 4 : i32
      %scan3A_59 = arith.addi %scan3A_57, %scan3A_58 : i32
      %scan3A_60 = arith.constant 1 : i32
      scf.for %scan3A_121 = %scan3A_57 to %scan3A_59 step %scan3A_60  : i32 {
        %mul3A_122 = arith.constant 1 : i32
        %mul3A_123 = arith.muli %scan3A_121, %mul3A_122 : i32
        %add3A_124 = arith.constant 0 : i32
        %add3A_125 = arith.addi %add3A_124, %mul3A_123 : i32
        %dma_wait3A_126 = arith.constant 0 : i32
        %dma_wait3A_127 = arith.constant 0 : i32
        %dma_wait3A_128 = arith.constant 0 : i32
        %dma_wait3A_129 = tpu.memref_slice %arg6[%dma_wait3A_126, %dma_wait3A_127, %dma_wait3A_128] : memref<2x256x16xf32, #tpu.memory_space<vmem>> -> memref<1x16x16xf32, #tpu.memory_space<vmem>>
        %dma_wait3A_130 = tpu.memref_squeeze %dma_wait3A_129 : memref<1x16x16xf32, #tpu.memory_space<vmem>> -> memref<16x16xf32, #tpu.memory_space<vmem>>
        %dma_wait3A_131 = arith.constant 0 : i32
        %dma_wait3A_132 = arith.constant 0 : i32
        %dma_wait3A_133 = tpu.memref_slice %arg3[%dma_wait3A_131, %dma_wait3A_132] : memref<2000000x16xf32, #tpu.memory_space<hbm>> -> memref<2000000x16xf32, #tpu.memory_space<hbm>>
        tpu.wait_indirect_dma semaphore(%arg7 : memref<!tpu.dma_semaphore, #tpu.memory_space<semaphore_mem>>) src(%dma_wait3A_133 : memref<2000000x16xf32, #tpu.memory_space<hbm>>) dst(%dma_wait3A_130 : memref<16x16xf32, #tpu.memory_space<vmem>>)
        %dma_wait3A_134 = arith.constant 0 : i32
        %dma_wait3A_135 = arith.constant 0 : i32
        %dma_wait3A_136 = arith.constant 0 : i32
        %dma_wait3A_137 = tpu.memref_slice %arg6[%dma_wait3A_134, %dma_wait3A_135, %dma_wait3A_136] : memref<2x256x16xf32, #tpu.memory_space<vmem>> -> memref<1x16x16xf32, #tpu.memory_space<vmem>>
        %dma_wait3A_138 = tpu.memref_squeeze %dma_wait3A_137 : memref<1x16x16xf32, #tpu.memory_space<vmem>> -> memref<16x16xf32, #tpu.memory_space<vmem>>
        %dma_wait3A_139 = arith.constant 0 : i32
        %dma_wait3A_140 = arith.constant 0 : i32
        %dma_wait3A_141 = tpu.memref_slice %arg3[%dma_wait3A_139, %dma_wait3A_140] : memref<2000000x16xf32, #tpu.memory_space<hbm>> -> memref<2000000x16xf32, #tpu.memory_space<hbm>>
        tpu.wait_indirect_dma semaphore(%arg8 : memref<!tpu.dma_semaphore, #tpu.memory_space<semaphore_mem>>) src(%dma_wait3A_141 : memref<2000000x16xf32, #tpu.memory_space<hbm>>) dst(%dma_wait3A_138 : memref<16x16xf32, #tpu.memory_space<vmem>>)
        %dma_wait3A_142 = arith.constant 0 : i32
        %dma_wait3A_143 = arith.constant 0 : i32
        %dma_wait3A_144 = arith.constant 0 : i32
        %dma_wait3A_145 = tpu.memref_slice %arg6[%dma_wait3A_142, %dma_wait3A_143, %dma_wait3A_144] : memref<2x256x16xf32, #tpu.memory_space<vmem>> -> memref<1x16x16xf32, #tpu.memory_space<vmem>>
        %dma_wait3A_146 = tpu.memref_squeeze %dma_wait3A_145 : memref<1x16x16xf32, #tpu.memory_space<vmem>> -> memref<16x16xf32, #tpu.memory_space<vmem>>
        %dma_wait3A_147 = arith.constant 0 : i32
        %dma_wait3A_148 = arith.constant 0 : i32
        %dma_wait3A_149 = tpu.memref_slice %arg3[%dma_wait3A_147, %dma_wait3A_148] : memref<2000000x16xf32, #tpu.memory_space<hbm>> -> memref<2000000x16xf32, #tpu.memory_space<hbm>>
        tpu.wait_indirect_dma semaphore(%arg9 : memref<!tpu.dma_semaphore, #tpu.memory_space<semaphore_mem>>) src(%dma_wait3A_149 : memref<2000000x16xf32, #tpu.memory_space<hbm>>) dst(%dma_wait3A_146 : memref<16x16xf32, #tpu.memory_space<vmem>>)
        %dma_wait3A_150 = arith.constant 0 : i32
        %dma_wait3A_151 = arith.constant 0 : i32
        %dma_wait3A_152 = arith.constant 0 : i32
        %dma_wait3A_153 = tpu.memref_slice %arg6[%dma_wait3A_150, %dma_wait3A_151, %dma_wait3A_152] : memref<2x256x16xf32, #tpu.memory_space<vmem>> -> memref<1x16x16xf32, #tpu.memory_space<vmem>>
        %dma_wait3A_154 = tpu.memref_squeeze %dma_wait3A_153 : memref<1x16x16xf32, #tpu.memory_space<vmem>> -> memref<16x16xf32, #tpu.memory_space<vmem>>
        %dma_wait3A_155 = arith.constant 0 : i32
        %dma_wait3A_156 = arith.constant 0 : i32
        %dma_wait3A_157 = tpu.memref_slice %arg3[%dma_wait3A_155, %dma_wait3A_156] : memref<2000000x16xf32, #tpu.memory_space<hbm>> -> memref<2000000x16xf32, #tpu.memory_space<hbm>>
        tpu.wait_indirect_dma semaphore(%arg10 : memref<!tpu.dma_semaphore, #tpu.memory_space<semaphore_mem>>) src(%dma_wait3A_157 : memref<2000000x16xf32, #tpu.memory_space<hbm>>) dst(%dma_wait3A_154 : memref<16x16xf32, #tpu.memory_space<vmem>>)
      }
      %scan3A_61 = arith.constant 4 : i32
      %add3A_62 = arith.addi %mul3A_2, %mul3A_56 : i32
      %add3A_63 = arith.constant 0 : i32
      %add3A_64 = arith.addi %add3A_62, %add3A_63 : i32
      %dma_start3A = arith.constant 0 : i32
      %dma_start3A_65 = arith.constant 0 : i32
      %dma_start3A_66 = arith.constant 0 : i32
      %dma_start3A_67 = tpu.memref_slice %arg6[%dma_start3A, %dma_start3A_65, %dma_start3A_66] : memref<2x256x16xf32, #tpu.memory_space<vmem>> -> memref<1x256x16xf32, #tpu.memory_space<vmem>>
      %dma_start3A_68 = tpu.memref_squeeze %dma_start3A_67 : memref<1x256x16xf32, #tpu.memory_space<vmem>> -> memref<256x16xf32, #tpu.memory_space<vmem>>
      %dma_start3A_69 = arith.constant 0 : i32
      %dma_start3A_70 = arith.constant 0 : i32
      %dma_start3A_71 = tpu.memref_slice %arg4[%add3A_64, %dma_start3A_69, %dma_start3A_70] : memref<1600x256x16xf32, #tpu.memory_space<hbm>> -> memref<1x256x16xf32, #tpu.memory_space<hbm>>
      %dma_start3A_72 = tpu.memref_squeeze %dma_start3A_71 : memref<1x256x16xf32, #tpu.memory_space<hbm>> -> memref<256x16xf32, #tpu.memory_space<hbm>>
      %dma_start3A_73 = arith.constant 0 : i32
      %dma_start3A_74 = arith.constant 0 : i32
      %dma_start3A_75 = tpu.memref_slice %arg4[%add3A_64, %dma_start3A_73, %dma_start3A_74] : memref<1600x256x16xf32, #tpu.memory_space<hbm>> -> memref<1x256x16xf32, #tpu.memory_space<hbm>>
      %dma_start3A_76 = tpu.memref_squeeze %dma_start3A_75 : memref<1x256x16xf32, #tpu.memory_space<hbm>> -> memref<256x16xf32, #tpu.memory_space<hbm>>
      %dma_start3A_77 = arith.constant 0 : i32
      %dma_start3A_78 = arith.constant 0 : i32
      %dma_start3A_79 = tpu.memref_slice %arg6[%dma_start3A, %dma_start3A_77, %dma_start3A_78] : memref<2x256x16xf32, #tpu.memory_space<vmem>> -> memref<1x256x16xf32, #tpu.memory_space<vmem>>
      %dma_start3A_80 = tpu.memref_squeeze %dma_start3A_79 : memref<1x256x16xf32, #tpu.memory_space<vmem>> -> memref<256x16xf32, #tpu.memory_space<vmem>>
      tpu.enqueue_dma source(%dma_start3A_80 : memref<256x16xf32, #tpu.memory_space<vmem>>) target(%dma_start3A_76 : memref<256x16xf32, #tpu.memory_space<hbm>>) target_semaphore(%arg15 : memref<!tpu.dma_semaphore, #tpu.memory_space<semaphore_mem>>)
      %scan3A_81 = arith.constant 0 : i32
      %scan3A_82 = arith.constant 4 : i32
      %scan3A_83 = arith.addi %scan3A_81, %scan3A_82 : i32
      %scan3A_84 = arith.constant 1 : i32
      scf.for %scan3A_121 = %scan3A_81 to %scan3A_83 step %scan3A_84  : i32 {
        %mul3A_122 = arith.constant 1 : i32
        %mul3A_123 = arith.muli %scan3A_121, %mul3A_122 : i32
        %add3A_124 = arith.constant 0 : i32
        %add3A_125 = arith.addi %add3A_124, %mul3A_123 : i32
        %dma_wait3A_126 = arith.constant 1 : i32
        %dma_wait3A_127 = arith.constant 0 : i32
        %dma_wait3A_128 = arith.constant 0 : i32
        %dma_wait3A_129 = tpu.memref_slice %arg6[%dma_wait3A_126, %dma_wait3A_127, %dma_wait3A_128] : memref<2x256x16xf32, #tpu.memory_space<vmem>> -> memref<1x16x16xf32, #tpu.memory_space<vmem>>
        %dma_wait3A_130 = tpu.memref_squeeze %dma_wait3A_129 : memref<1x16x16xf32, #tpu.memory_space<vmem>> -> memref<16x16xf32, #tpu.memory_space<vmem>>
        %dma_wait3A_131 = arith.constant 0 : i32
        %dma_wait3A_132 = arith.constant 0 : i32
        %dma_wait3A_133 = tpu.memref_slice %arg3[%dma_wait3A_131, %dma_wait3A_132] : memref<2000000x16xf32, #tpu.memory_space<hbm>> -> memref<2000000x16xf32, #tpu.memory_space<hbm>>
        tpu.wait_indirect_dma semaphore(%arg11 : memref<!tpu.dma_semaphore, #tpu.memory_space<semaphore_mem>>) src(%dma_wait3A_133 : memref<2000000x16xf32, #tpu.memory_space<hbm>>) dst(%dma_wait3A_130 : memref<16x16xf32, #tpu.memory_space<vmem>>)
        %dma_wait3A_134 = arith.constant 1 : i32
        %dma_wait3A_135 = arith.constant 0 : i32
        %dma_wait3A_136 = arith.constant 0 : i32
        %dma_wait3A_137 = tpu.memref_slice %arg6[%dma_wait3A_134, %dma_wait3A_135, %dma_wait3A_136] : memref<2x256x16xf32, #tpu.memory_space<vmem>> -> memref<1x16x16xf32, #tpu.memory_space<vmem>>
        %dma_wait3A_138 = tpu.memref_squeeze %dma_wait3A_137 : memref<1x16x16xf32, #tpu.memory_space<vmem>> -> memref<16x16xf32, #tpu.memory_space<vmem>>
        %dma_wait3A_139 = arith.constant 0 : i32
        %dma_wait3A_140 = arith.constant 0 : i32
        %dma_wait3A_141 = tpu.memref_slice %arg3[%dma_wait3A_139, %dma_wait3A_140] : memref<2000000x16xf32, #tpu.memory_space<hbm>> -> memref<2000000x16xf32, #tpu.memory_space<hbm>>
        tpu.wait_indirect_dma semaphore(%arg12 : memref<!tpu.dma_semaphore, #tpu.memory_space<semaphore_mem>>) src(%dma_wait3A_141 : memref<2000000x16xf32, #tpu.memory_space<hbm>>) dst(%dma_wait3A_138 : memref<16x16xf32, #tpu.memory_space<vmem>>)
        %dma_wait3A_142 = arith.constant 1 : i32
        %dma_wait3A_143 = arith.constant 0 : i32
        %dma_wait3A_144 = arith.constant 0 : i32
        %dma_wait3A_145 = tpu.memref_slice %arg6[%dma_wait3A_142, %dma_wait3A_143, %dma_wait3A_144] : memref<2x256x16xf32, #tpu.memory_space<vmem>> -> memref<1x16x16xf32, #tpu.memory_space<vmem>>
        %dma_wait3A_146 = tpu.memref_squeeze %dma_wait3A_145 : memref<1x16x16xf32, #tpu.memory_space<vmem>> -> memref<16x16xf32, #tpu.memory_space<vmem>>
        %dma_wait3A_147 = arith.constant 0 : i32
        %dma_wait3A_148 = arith.constant 0 : i32
        %dma_wait3A_149 = tpu.memref_slice %arg3[%dma_wait3A_147, %dma_wait3A_148] : memref<2000000x16xf32, #tpu.memory_space<hbm>> -> memref<2000000x16xf32, #tpu.memory_space<hbm>>
        tpu.wait_indirect_dma semaphore(%arg13 : memref<!tpu.dma_semaphore, #tpu.memory_space<semaphore_mem>>) src(%dma_wait3A_149 : memref<2000000x16xf32, #tpu.memory_space<hbm>>) dst(%dma_wait3A_146 : memref<16x16xf32, #tpu.memory_space<vmem>>)
        %dma_wait3A_150 = arith.constant 1 : i32
        %dma_wait3A_151 = arith.constant 0 : i32
        %dma_wait3A_152 = arith.constant 0 : i32
        %dma_wait3A_153 = tpu.memref_slice %arg6[%dma_wait3A_150, %dma_wait3A_151, %dma_wait3A_152] : memref<2x256x16xf32, #tpu.memory_space<vmem>> -> memref<1x16x16xf32, #tpu.memory_space<vmem>>
        %dma_wait3A_154 = tpu.memref_squeeze %dma_wait3A_153 : memref<1x16x16xf32, #tpu.memory_space<vmem>> -> memref<16x16xf32, #tpu.memory_space<vmem>>
        %dma_wait3A_155 = arith.constant 0 : i32
        %dma_wait3A_156 = arith.constant 0 : i32
        %dma_wait3A_157 = tpu.memref_slice %arg3[%dma_wait3A_155, %dma_wait3A_156] : memref<2000000x16xf32, #tpu.memory_space<hbm>> -> memref<2000000x16xf32, #tpu.memory_space<hbm>>
        tpu.wait_indirect_dma semaphore(%arg14 : memref<!tpu.dma_semaphore, #tpu.memory_space<semaphore_mem>>) src(%dma_wait3A_157 : memref<2000000x16xf32, #tpu.memory_space<hbm>>) dst(%dma_wait3A_154 : memref<16x16xf32, #tpu.memory_space<vmem>>)
      }
      %scan3A_85 = arith.constant 4 : i32
      %add3A_86 = arith.addi %mul3A_2, %mul3A_56 : i32
      %add3A_87 = arith.constant 1 : i32
      %add3A_88 = arith.addi %add3A_86, %add3A_87 : i32
      %dma_start3A_89 = arith.constant 1 : i32
      %dma_start3A_90 = arith.constant 0 : i32
      %dma_start3A_91 = arith.constant 0 : i32
      %dma_start3A_92 = tpu.memref_slice %arg6[%dma_start3A_89, %dma_start3A_90, %dma_start3A_91] : memref<2x256x16xf32, #tpu.memory_space<vmem>> -> memref<1x256x16xf32, #tpu.memory_space<vmem>>
      %dma_start3A_93 = tpu.memref_squeeze %dma_start3A_92 : memref<1x256x16xf32, #tpu.memory_space<vmem>> -> memref<256x16xf32, #tpu.memory_space<vmem>>
      %dma_start3A_94 = arith.constant 0 : i32
      %dma_start3A_95 = arith.constant 0 : i32
      %dma_start3A_96 = tpu.memref_slice %arg4[%add3A_88, %dma_start3A_94, %dma_start3A_95] : memref<1600x256x16xf32, #tpu.memory_space<hbm>> -> memref<1x256x16xf32, #tpu.memory_space<hbm>>
      %dma_start3A_97 = tpu.memref_squeeze %dma_start3A_96 : memref<1x256x16xf32, #tpu.memory_space<hbm>> -> memref<256x16xf32, #tpu.memory_space<hbm>>
      %dma_start3A_98 = arith.constant 0 : i32
      %dma_start3A_99 = arith.constant 0 : i32
      %dma_start3A_100 = tpu.memref_slice %arg4[%add3A_88, %dma_start3A_98, %dma_start3A_99] : memref<1600x256x16xf32, #tpu.memory_space<hbm>> -> memref<1x256x16xf32, #tpu.memory_space<hbm>>
      %dma_start3A_101 = tpu.memref_squeeze %dma_start3A_100 : memref<1x256x16xf32, #tpu.memory_space<hbm>> -> memref<256x16xf32, #tpu.memory_space<hbm>>
      %dma_start3A_102 = arith.constant 0 : i32
      %dma_start3A_103 = arith.constant 0 : i32
      %dma_start3A_104 = tpu.memref_slice %arg6[%dma_start3A_89, %dma_start3A_102, %dma_start3A_103] : memref<2x256x16xf32, #tpu.memory_space<vmem>> -> memref<1x256x16xf32, #tpu.memory_space<vmem>>
      %dma_start3A_105 = tpu.memref_squeeze %dma_start3A_104 : memref<1x256x16xf32, #tpu.memory_space<vmem>> -> memref<256x16xf32, #tpu.memory_space<vmem>>
      tpu.enqueue_dma source(%dma_start3A_105 : memref<256x16xf32, #tpu.memory_space<vmem>>) target(%dma_start3A_101 : memref<256x16xf32, #tpu.memory_space<hbm>>) target_semaphore(%arg16 : memref<!tpu.dma_semaphore, #tpu.memory_space<semaphore_mem>>)
      %add3A_106 = arith.constant 2 : i32
      %add3A_107 = arith.addi %mul3A_56, %add3A_106 : i32
      %add3A_108 = arith.constant 0 : i32
      %add3A_109 = arith.addi %add3A_107, %add3A_108 : i32
      %lt3A = arith.constant 50 : i32
      %lt3A_110 = arith.cmpi slt, %add3A_109, %lt3A : i32
      %convert_element_type3A = arith.extui %lt3A_110 : i1 to i32
      %cond3A = arith.constant 0 : i32
      %cond3A_111 = arith.cmpi ne, %convert_element_type3A, %cond3A : i32
      scf.if %cond3A_111 {
        %dma_wait3A_121 = arith.constant 0 : i32
        %dma_wait3A_122 = arith.constant 0 : i32
        %dma_wait3A_123 = arith.constant 0 : i32
        %dma_wait3A_124 = tpu.memref_slice %arg6[%dma_wait3A_121, %dma_wait3A_122, %dma_wait3A_123] : memref<2x256x16xf32, #tpu.memory_space<vmem>> -> memref<1x256x16xf32, #tpu.memory_space<vmem>>
        %dma_wait3A_125 = tpu.memref_squeeze %dma_wait3A_124 : memref<1x256x16xf32, #tpu.memory_space<vmem>> -> memref<256x16xf32, #tpu.memory_space<vmem>>
        %dma_wait3A_126 = arith.constant 0 : i32
        %dma_wait3A_127 = arith.constant 0 : i32
        %dma_wait3A_128 = tpu.memref_slice %arg4[%mul3A_2, %dma_wait3A_126, %dma_wait3A_127] : memref<1600x256x16xf32, #tpu.memory_space<hbm>> -> memref<1x256x16xf32, #tpu.memory_space<hbm>>
        %dma_wait3A_129 = tpu.memref_squeeze %dma_wait3A_128 : memref<1x256x16xf32, #tpu.memory_space<hbm>> -> memref<256x16xf32, #tpu.memory_space<hbm>>
        %dma_wait3A_130 = arith.constant 0 : i32
        %dma_wait3A_131 = arith.constant 0 : i32
        %dma_wait3A_132 = tpu.memref_slice %arg4[%mul3A_2, %dma_wait3A_130, %dma_wait3A_131] : memref<1600x256x16xf32, #tpu.memory_space<hbm>> -> memref<1x256x16xf32, #tpu.memory_space<hbm>>
        %dma_wait3A_133 = tpu.memref_squeeze %dma_wait3A_132 : memref<1x256x16xf32, #tpu.memory_space<hbm>> -> memref<256x16xf32, #tpu.memory_space<hbm>>
        %dma_wait3A_134 = arith.constant 0 : i32
        %dma_wait3A_135 = arith.constant 0 : i32
        %dma_wait3A_136 = tpu.memref_slice %arg6[%dma_wait3A_121, %dma_wait3A_134, %dma_wait3A_135] : memref<2x256x16xf32, #tpu.memory_space<vmem>> -> memref<1x256x16xf32, #tpu.memory_space<vmem>>
        %dma_wait3A_137 = tpu.memref_squeeze %dma_wait3A_136 : memref<1x256x16xf32, #tpu.memory_space<vmem>> -> memref<256x16xf32, #tpu.memory_space<vmem>>
        tpu.wait_dma2 semaphore(%arg15 : memref<!tpu.dma_semaphore, #tpu.memory_space<semaphore_mem>>) src(%dma_wait3A_137 : memref<256x16xf32, #tpu.memory_space<vmem>>) dst(%dma_wait3A_133 : memref<256x16xf32, #tpu.memory_space<hbm>>)
        %mul3A_138 = arith.constant 128 : i32
        %mul3A_139 = arith.muli %add3A_109, %mul3A_138 : i32
        %scan3A_140 = arith.constant 0 : i32
        %scan3A_141 = arith.constant 4 : i32
        %scan3A_142 = arith.addi %scan3A_140, %scan3A_141 : i32
        %scan3A_143 = arith.constant 1 : i32
        scf.for %scan3A_145 = %scan3A_140 to %scan3A_142 step %scan3A_143  : i32 {
          %mul3A_146 = arith.constant 1 : i32
          %mul3A_147 = arith.muli %scan3A_145, %mul3A_146 : i32
          %add3A_148 = arith.constant 0 : i32
          %add3A_149 = arith.addi %add3A_148, %mul3A_147 : i32
          %mul3A_150 = arith.constant 32 : i32
          %mul3A_151 = arith.muli %add3A_149, %mul3A_150 : i32
          %add3A_152 = arith.constant 0 : i32
          %add3A_153 = arith.addi %mul3A_151, %add3A_152 : i32
          %add3A_154 = arith.addi %mul3A_139, %add3A_153 : i32
          %shift_right_logical3A = arith.constant 1 : i32
          %shift_right_logical3A_155 = vector.broadcast %shift_right_logical3A : i32 to vector<16xi32>
          %shift_right_logical3A_156 = arith.shrui %iota3A, %shift_right_logical3A_155 : vector<16xi32>
          %add3A_157 = vector.broadcast %add3A_154 : i32 to vector<16xi32>
          %add3A_158 = arith.addi %add3A_157, %shift_right_logical3A_156 : vector<16xi32>
          %gather3A = tpu.vector_load_idx %arg5[%add3A_158] : memref<6400xi32, #tpu.memory_space<vmem>>[vector<16xi32>], vector<16xi32>,
          %shift_left3A = arith.constant 1 : i32
          %shift_left3A_159 = vector.broadcast %shift_left3A : i32 to vector<16xi32>
          %shift_left3A_160 = arith.shli %gather3A, %shift_left3A_159 : vector<16xi32>
          %rem3A = arith.constant 2 : i32
          %rem3A_161 = vector.broadcast %rem3A : i32 to vector<16xi32>
          %rem3A_162 = arith.remsi %iota3A, %rem3A_161 : vector<16xi32>
          %add3A_163 = arith.addi %shift_left3A_160, %rem3A_162 : vector<16xi32>
          %mul3A_164 = arith.constant 2 : i32
          %mul3A_165 = arith.muli %add3A_153, %mul3A_164 : i32
          %dma_start3A_166 = arith.constant 0 : i32
          %dma_start3A_167 = arith.constant 0 : i32
          %dma_start3A_168 = tpu.memref_slice %arg6[%dma_start3A_166, %mul3A_165, %dma_start3A_167] : memref<2x256x16xf32, #tpu.memory_space<vmem>> -> memref<1x16x16xf32, #tpu.memory_space<vmem>>
          %dma_start3A_169 = tpu.memref_squeeze %dma_start3A_168 : memref<1x16x16xf32, #tpu.memory_space<vmem>> -> memref<16x16xf32, #tpu.memory_space<vmem>>
          %dma_start3A_170 = arith.constant 0 : i32
          %dma_start3A_171 = arith.constant 0 : i32
          %dma_start3A_172 = tpu.memref_slice %arg3[%dma_start3A_170, %dma_start3A_171] : memref<2000000x16xf32, #tpu.memory_space<hbm>> -> memref<2000000x16xf32, #tpu.memory_space<hbm>>
          %dma_start3A_173 = arith.constant -1 : i32
          tpu.enqueue_indirect_dma source(%dma_start3A_172 : memref<2000000x16xf32, #tpu.memory_space<hbm>>) target(%dma_start3A_169 : memref<16x16xf32, #tpu.memory_space<vmem>>) offsets(%add3A_163 : vector<16xi32>) offset_filter(%dma_start3A_173) semaphore(%arg7 : memref<!tpu.dma_semaphore, #tpu.memory_space<semaphore_mem>>)
          %mul3A_174 = arith.constant 32 : i32
          %mul3A_175 = arith.muli %add3A_149, %mul3A_174 : i32
          %add3A_176 = arith.constant 8 : i32
          %add3A_177 = arith.addi %mul3A_175, %add3A_176 : i32
          %add3A_178 = arith.addi %mul3A_139, %add3A_177 : i32
          %shift_right_logical3A_179 = arith.constant 1 : i32
          %shift_right_logical3A_180 = vector.broadcast %shift_right_logical3A_179 : i32 to vector<16xi32>
          %shift_right_logical3A_181 = arith.shrui %iota3A, %shift_right_logical3A_180 : vector<16xi32>
          %add3A_182 = vector.broadcast %add3A_178 : i32 to vector<16xi32>
          %add3A_183 = arith.addi %add3A_182, %shift_right_logical3A_181 : vector<16xi32>
          %gather3A_184 = tpu.vector_load_idx %arg5[%add3A_183] : memref<6400xi32, #tpu.memory_space<vmem>>[vector<16xi32>], vector<16xi32>,
          %shift_left3A_185 = arith.constant 1 : i32
          %shift_left3A_186 = vector.broadcast %shift_left3A_185 : i32 to vector<16xi32>
          %shift_left3A_187 = arith.shli %gather3A_184, %shift_left3A_186 : vector<16xi32>
          %rem3A_188 = arith.constant 2 : i32
          %rem3A_189 = vector.broadcast %rem3A_188 : i32 to vector<16xi32>
          %rem3A_190 = arith.remsi %iota3A, %rem3A_189 : vector<16xi32>
          %add3A_191 = arith.addi %shift_left3A_187, %rem3A_190 : vector<16xi32>
          %mul3A_192 = arith.constant 2 : i32
          %mul3A_193 = arith.muli %add3A_177, %mul3A_192 : i32
          %dma_start3A_194 = arith.constant 0 : i32
          %dma_start3A_195 = arith.constant 0 : i32
          %dma_start3A_196 = tpu.memref_slice %arg6[%dma_start3A_194, %mul3A_193, %dma_start3A_195] : memref<2x256x16xf32, #tpu.memory_space<vmem>> -> memref<1x16x16xf32, #tpu.memory_space<vmem>>
          %dma_start3A_197 = tpu.memref_squeeze %dma_start3A_196 : memref<1x16x16xf32, #tpu.memory_space<vmem>> -> memref<16x16xf32, #tpu.memory_space<vmem>>
          %dma_start3A_198 = arith.constant 0 : i32
          %dma_start3A_199 = arith.constant 0 : i32
          %dma_start3A_200 = tpu.memref_slice %arg3[%dma_start3A_198, %dma_start3A_199] : memref<2000000x16xf32, #tpu.memory_space<hbm>> -> memref<2000000x16xf32, #tpu.memory_space<hbm>>
          %dma_start3A_201 = arith.constant -1 : i32
          tpu.enqueue_indirect_dma source(%dma_start3A_200 : memref<2000000x16xf32, #tpu.memory_space<hbm>>) target(%dma_start3A_197 : memref<16x16xf32, #tpu.memory_space<vmem>>) offsets(%add3A_191 : vector<16xi32>) offset_filter(%dma_start3A_201) semaphore(%arg8 : memref<!tpu.dma_semaphore, #tpu.memory_space<semaphore_mem>>)
          %mul3A_202 = arith.constant 32 : i32
          %mul3A_203 = arith.muli %add3A_149, %mul3A_202 : i32
          %add3A_204 = arith.constant 16 : i32
          %add3A_205 = arith.addi %mul3A_203, %add3A_204 : i32
          %add3A_206 = arith.addi %mul3A_139, %add3A_205 : i32
          %shift_right_logical3A_207 = arith.constant 1 : i32
          %shift_right_logical3A_208 = vector.broadcast %shift_right_logical3A_207 : i32 to vector<16xi32>
          %shift_right_logical3A_209 = arith.shrui %iota3A, %shift_right_logical3A_208 : vector<16xi32>
          %add3A_210 = vector.broadcast %add3A_206 : i32 to vector<16xi32>
          %add3A_211 = arith.addi %add3A_210, %shift_right_logical3A_209 : vector<16xi32>
          %gather3A_212 = tpu.vector_load_idx %arg5[%add3A_211] : memref<6400xi32, #tpu.memory_space<vmem>>[vector<16xi32>], vector<16xi32>,
          %shift_left3A_213 = arith.constant 1 : i32
          %shift_left3A_214 = vector.broadcast %shift_left3A_213 : i32 to vector<16xi32>
          %shift_left3A_215 = arith.shli %gather3A_212, %shift_left3A_214 : vector<16xi32>
          %rem3A_216 = arith.constant 2 : i32
          %rem3A_217 = vector.broadcast %rem3A_216 : i32 to vector<16xi32>
          %rem3A_218 = arith.remsi %iota3A, %rem3A_217 : vector<16xi32>
          %add3A_219 = arith.addi %shift_left3A_215, %rem3A_218 : vector<16xi32>
          %mul3A_220 = arith.constant 2 : i32
          %mul3A_221 = arith.muli %add3A_205, %mul3A_220 : i32
          %dma_start3A_222 = arith.constant 0 : i32
          %dma_start3A_223 = arith.constant 0 : i32
          %dma_start3A_224 = tpu.memref_slice %arg6[%dma_start3A_222, %mul3A_221, %dma_start3A_223] : memref<2x256x16xf32, #tpu.memory_space<vmem>> -> memref<1x16x16xf32, #tpu.memory_space<vmem>>
          %dma_start3A_225 = tpu.memref_squeeze %dma_start3A_224 : memref<1x16x16xf32, #tpu.memory_space<vmem>> -> memref<16x16xf32, #tpu.memory_space<vmem>>
          %dma_start3A_226 = arith.constant 0 : i32
          %dma_start3A_227 = arith.constant 0 : i32
          %dma_start3A_228 = tpu.memref_slice %arg3[%dma_start3A_226, %dma_start3A_227] : memref<2000000x16xf32, #tpu.memory_space<hbm>> -> memref<2000000x16xf32, #tpu.memory_space<hbm>>
          %dma_start3A_229 = arith.constant -1 : i32
          tpu.enqueue_indirect_dma source(%dma_start3A_228 : memref<2000000x16xf32, #tpu.memory_space<hbm>>) target(%dma_start3A_225 : memref<16x16xf32, #tpu.memory_space<vmem>>) offsets(%add3A_219 : vector<16xi32>) offset_filter(%dma_start3A_229) semaphore(%arg9 : memref<!tpu.dma_semaphore, #tpu.memory_space<semaphore_mem>>)
          %mul3A_230 = arith.constant 32 : i32
          %mul3A_231 = arith.muli %add3A_149, %mul3A_230 : i32
          %add3A_232 = arith.constant 24 : i32
          %add3A_233 = arith.addi %mul3A_231, %add3A_232 : i32
          %add3A_234 = arith.addi %mul3A_139, %add3A_233 : i32
          %shift_right_logical3A_235 = arith.constant 1 : i32
          %shift_right_logical3A_236 = vector.broadcast %shift_right_logical3A_235 : i32 to vector<16xi32>
          %shift_right_logical3A_237 = arith.shrui %iota3A, %shift_right_logical3A_236 : vector<16xi32>
          %add3A_238 = vector.broadcast %add3A_234 : i32 to vector<16xi32>
          %add3A_239 = arith.addi %add3A_238, %shift_right_logical3A_237 : vector<16xi32>
          %gather3A_240 = tpu.vector_load_idx %arg5[%add3A_239] : memref<6400xi32, #tpu.memory_space<vmem>>[vector<16xi32>], vector<16xi32>,
          %shift_left3A_241 = arith.constant 1 : i32
          %shift_left3A_242 = vector.broadcast %shift_left3A_241 : i32 to vector<16xi32>
          %shift_left3A_243 = arith.shli %gather3A_240, %shift_left3A_242 : vector<16xi32>
          %rem3A_244 = arith.constant 2 : i32
          %rem3A_245 = vector.broadcast %rem3A_244 : i32 to vector<16xi32>
          %rem3A_246 = arith.remsi %iota3A, %rem3A_245 : vector<16xi32>
          %add3A_247 = arith.addi %shift_left3A_243, %rem3A_246 : vector<16xi32>
          %mul3A_248 = arith.constant 2 : i32
          %mul3A_249 = arith.muli %add3A_233, %mul3A_248 : i32
          %dma_start3A_250 = arith.constant 0 : i32
          %dma_start3A_251 = arith.constant 0 : i32
          %dma_start3A_252 = tpu.memref_slice %arg6[%dma_start3A_250, %mul3A_249, %dma_start3A_251] : memref<2x256x16xf32, #tpu.memory_space<vmem>> -> memref<1x16x16xf32, #tpu.memory_space<vmem>>
          %dma_start3A_253 = tpu.memref_squeeze %dma_start3A_252 : memref<1x16x16xf32, #tpu.memory_space<vmem>> -> memref<16x16xf32, #tpu.memory_space<vmem>>
          %dma_start3A_254 = arith.constant 0 : i32
          %dma_start3A_255 = arith.constant 0 : i32
          %dma_start3A_256 = tpu.memref_slice %arg3[%dma_start3A_254, %dma_start3A_255] : memref<2000000x16xf32, #tpu.memory_space<hbm>> -> memref<2000000x16xf32, #tpu.memory_space<hbm>>
          %dma_start3A_257 = arith.constant -1 : i32
          tpu.enqueue_indirect_dma source(%dma_start3A_256 : memref<2000000x16xf32, #tpu.memory_space<hbm>>) target(%dma_start3A_253 : memref<16x16xf32, #tpu.memory_space<vmem>>) offsets(%add3A_247 : vector<16xi32>) offset_filter(%dma_start3A_257) semaphore(%arg10 : memref<!tpu.dma_semaphore, #tpu.memory_space<semaphore_mem>>)
        }
        %scan3A_144 = arith.constant 4 : i32
      } else {
      }
      %add3A_112 = arith.constant 2 : i32
      %add3A_113 = arith.addi %mul3A_56, %add3A_112 : i32
      %add3A_114 = arith.constant 1 : i32
      %add3A_115 = arith.addi %add3A_113, %add3A_114 : i32
      %lt3A_116 = arith.constant 50 : i32
      %lt3A_117 = arith.cmpi slt, %add3A_115, %lt3A_116 : i32
      %convert_element_type3A_118 = arith.extui %lt3A_117 : i1 to i32
      %cond3A_119 = arith.constant 0 : i32
      %cond3A_120 = arith.cmpi ne, %convert_element_type3A_118, %cond3A_119 : i32
      scf.if %cond3A_120 {
        %dma_wait3A_121 = arith.constant 1 : i32
        %dma_wait3A_122 = arith.constant 0 : i32
        %dma_wait3A_123 = arith.constant 0 : i32
        %dma_wait3A_124 = tpu.memref_slice %arg6[%dma_wait3A_121, %dma_wait3A_122, %dma_wait3A_123] : memref<2x256x16xf32, #tpu.memory_space<vmem>> -> memref<1x256x16xf32, #tpu.memory_space<vmem>>
        %dma_wait3A_125 = tpu.memref_squeeze %dma_wait3A_124 : memref<1x256x16xf32, #tpu.memory_space<vmem>> -> memref<256x16xf32, #tpu.memory_space<vmem>>
        %dma_wait3A_126 = arith.constant 0 : i32
        %dma_wait3A_127 = arith.constant 0 : i32
        %dma_wait3A_128 = tpu.memref_slice %arg4[%mul3A_2, %dma_wait3A_126, %dma_wait3A_127] : memref<1600x256x16xf32, #tpu.memory_space<hbm>> -> memref<1x256x16xf32, #tpu.memory_space<hbm>>
        %dma_wait3A_129 = tpu.memref_squeeze %dma_wait3A_128 : memref<1x256x16xf32, #tpu.memory_space<hbm>> -> memref<256x16xf32, #tpu.memory_space<hbm>>
        %dma_wait3A_130 = arith.constant 0 : i32
        %dma_wait3A_131 = arith.constant 0 : i32
        %dma_wait3A_132 = tpu.memref_slice %arg4[%mul3A_2, %dma_wait3A_130, %dma_wait3A_131] : memref<1600x256x16xf32, #tpu.memory_space<hbm>> -> memref<1x256x16xf32, #tpu.memory_space<hbm>>
        %dma_wait3A_133 = tpu.memref_squeeze %dma_wait3A_132 : memref<1x256x16xf32, #tpu.memory_space<hbm>> -> memref<256x16xf32, #tpu.memory_space<hbm>>
        %dma_wait3A_134 = arith.constant 0 : i32
        %dma_wait3A_135 = arith.constant 0 : i32
        %dma_wait3A_136 = tpu.memref_slice %arg6[%dma_wait3A_121, %dma_wait3A_134, %dma_wait3A_135] : memref<2x256x16xf32, #tpu.memory_space<vmem>> -> memref<1x256x16xf32, #tpu.memory_space<vmem>>
        %dma_wait3A_137 = tpu.memref_squeeze %dma_wait3A_136 : memref<1x256x16xf32, #tpu.memory_space<vmem>> -> memref<256x16xf32, #tpu.memory_space<vmem>>
        tpu.wait_dma2 semaphore(%arg16 : memref<!tpu.dma_semaphore, #tpu.memory_space<semaphore_mem>>) src(%dma_wait3A_137 : memref<256x16xf32, #tpu.memory_space<vmem>>) dst(%dma_wait3A_133 : memref<256x16xf32, #tpu.memory_space<hbm>>)
        %mul3A_138 = arith.constant 128 : i32
        %mul3A_139 = arith.muli %add3A_115, %mul3A_138 : i32
        %scan3A_140 = arith.constant 0 : i32
        %scan3A_141 = arith.constant 4 : i32
        %scan3A_142 = arith.addi %scan3A_140, %scan3A_141 : i32
        %scan3A_143 = arith.constant 1 : i32
        scf.for %scan3A_145 = %scan3A_140 to %scan3A_142 step %scan3A_143  : i32 {
          %mul3A_146 = arith.constant 1 : i32
          %mul3A_147 = arith.muli %scan3A_145, %mul3A_146 : i32
          %add3A_148 = arith.constant 0 : i32
          %add3A_149 = arith.addi %add3A_148, %mul3A_147 : i32
          %mul3A_150 = arith.constant 32 : i32
          %mul3A_151 = arith.muli %add3A_149, %mul3A_150 : i32
          %add3A_152 = arith.constant 0 : i32
          %add3A_153 = arith.addi %mul3A_151, %add3A_152 : i32
          %add3A_154 = arith.addi %mul3A_139, %add3A_153 : i32
          %shift_right_logical3A = arith.constant 1 : i32
          %shift_right_logical3A_155 = vector.broadcast %shift_right_logical3A : i32 to vector<16xi32>
          %shift_right_logical3A_156 = arith.shrui %iota3A, %shift_right_logical3A_155 : vector<16xi32>
          %add3A_157 = vector.broadcast %add3A_154 : i32 to vector<16xi32>
          %add3A_158 = arith.addi %add3A_157, %shift_right_logical3A_156 : vector<16xi32>
          %gather3A = tpu.vector_load_idx %arg5[%add3A_158] : memref<6400xi32, #tpu.memory_space<vmem>>[vector<16xi32>], vector<16xi32>,
          %shift_left3A = arith.constant 1 : i32
          %shift_left3A_159 = vector.broadcast %shift_left3A : i32 to vector<16xi32>
          %shift_left3A_160 = arith.shli %gather3A, %shift_left3A_159 : vector<16xi32>
          %rem3A = arith.constant 2 : i32
          %rem3A_161 = vector.broadcast %rem3A : i32 to vector<16xi32>
          %rem3A_162 = arith.remsi %iota3A, %rem3A_161 : vector<16xi32>
          %add3A_163 = arith.addi %shift_left3A_160, %rem3A_162 : vector<16xi32>
          %mul3A_164 = arith.constant 2 : i32
          %mul3A_165 = arith.muli %add3A_153, %mul3A_164 : i32
          %dma_start3A_166 = arith.constant 1 : i32
          %dma_start3A_167 = arith.constant 0 : i32
          %dma_start3A_168 = tpu.memref_slice %arg6[%dma_start3A_166, %mul3A_165, %dma_start3A_167] : memref<2x256x16xf32, #tpu.memory_space<vmem>> -> memref<1x16x16xf32, #tpu.memory_space<vmem>>
          %dma_start3A_169 = tpu.memref_squeeze %dma_start3A_168 : memref<1x16x16xf32, #tpu.memory_space<vmem>> -> memref<16x16xf32, #tpu.memory_space<vmem>>
          %dma_start3A_170 = arith.constant 0 : i32
          %dma_start3A_171 = arith.constant 0 : i32
          %dma_start3A_172 = tpu.memref_slice %arg3[%dma_start3A_170, %dma_start3A_171] : memref<2000000x16xf32, #tpu.memory_space<hbm>> -> memref<2000000x16xf32, #tpu.memory_space<hbm>>
          %dma_start3A_173 = arith.constant -1 : i32
          tpu.enqueue_indirect_dma source(%dma_start3A_172 : memref<2000000x16xf32, #tpu.memory_space<hbm>>) target(%dma_start3A_169 : memref<16x16xf32, #tpu.memory_space<vmem>>) offsets(%add3A_163 : vector<16xi32>) offset_filter(%dma_start3A_173) semaphore(%arg11 : memref<!tpu.dma_semaphore, #tpu.memory_space<semaphore_mem>>)
          %mul3A_174 = arith.constant 32 : i32
          %mul3A_175 = arith.muli %add3A_149, %mul3A_174 : i32
          %add3A_176 = arith.constant 8 : i32
          %add3A_177 = arith.addi %mul3A_175, %add3A_176 : i32
          %add3A_178 = arith.addi %mul3A_139, %add3A_177 : i32
          %shift_right_logical3A_179 = arith.constant 1 : i32
          %shift_right_logical3A_180 = vector.broadcast %shift_right_logical3A_179 : i32 to vector<16xi32>
          %shift_right_logical3A_181 = arith.shrui %iota3A, %shift_right_logical3A_180 : vector<16xi32>
          %add3A_182 = vector.broadcast %add3A_178 : i32 to vector<16xi32>
          %add3A_183 = arith.addi %add3A_182, %shift_right_logical3A_181 : vector<16xi32>
          %gather3A_184 = tpu.vector_load_idx %arg5[%add3A_183] : memref<6400xi32, #tpu.memory_space<vmem>>[vector<16xi32>], vector<16xi32>,
          %shift_left3A_185 = arith.constant 1 : i32
          %shift_left3A_186 = vector.broadcast %shift_left3A_185 : i32 to vector<16xi32>
          %shift_left3A_187 = arith.shli %gather3A_184, %shift_left3A_186 : vector<16xi32>
          %rem3A_188 = arith.constant 2 : i32
          %rem3A_189 = vector.broadcast %rem3A_188 : i32 to vector<16xi32>
          %rem3A_190 = arith.remsi %iota3A, %rem3A_189 : vector<16xi32>
          %add3A_191 = arith.addi %shift_left3A_187, %rem3A_190 : vector<16xi32>
          %mul3A_192 = arith.constant 2 : i32
          %mul3A_193 = arith.muli %add3A_177, %mul3A_192 : i32
          %dma_start3A_194 = arith.constant 1 : i32
          %dma_start3A_195 = arith.constant 0 : i32
          %dma_start3A_196 = tpu.memref_slice %arg6[%dma_start3A_194, %mul3A_193, %dma_start3A_195] : memref<2x256x16xf32, #tpu.memory_space<vmem>> -> memref<1x16x16xf32, #tpu.memory_space<vmem>>
          %dma_start3A_197 = tpu.memref_squeeze %dma_start3A_196 : memref<1x16x16xf32, #tpu.memory_space<vmem>> -> memref<16x16xf32, #tpu.memory_space<vmem>>
          %dma_start3A_198 = arith.constant 0 : i32
          %dma_start3A_199 = arith.constant 0 : i32
          %dma_start3A_200 = tpu.memref_slice %arg3[%dma_start3A_198, %dma_start3A_199] : memref<2000000x16xf32, #tpu.memory_space<hbm>> -> memref<2000000x16xf32, #tpu.memory_space<hbm>>
          %dma_start3A_201 = arith.constant -1 : i32
          tpu.enqueue_indirect_dma source(%dma_start3A_200 : memref<2000000x16xf32, #tpu.memory_space<hbm>>) target(%dma_start3A_197 : memref<16x16xf32, #tpu.memory_space<vmem>>) offsets(%add3A_191 : vector<16xi32>) offset_filter(%dma_start3A_201) semaphore(%arg12 : memref<!tpu.dma_semaphore, #tpu.memory_space<semaphore_mem>>)
          %mul3A_202 = arith.constant 32 : i32
          %mul3A_203 = arith.muli %add3A_149, %mul3A_202 : i32
          %add3A_204 = arith.constant 16 : i32
          %add3A_205 = arith.addi %mul3A_203, %add3A_204 : i32
          %add3A_206 = arith.addi %mul3A_139, %add3A_205 : i32
          %shift_right_logical3A_207 = arith.constant 1 : i32
          %shift_right_logical3A_208 = vector.broadcast %shift_right_logical3A_207 : i32 to vector<16xi32>
          %shift_right_logical3A_209 = arith.shrui %iota3A, %shift_right_logical3A_208 : vector<16xi32>
          %add3A_210 = vector.broadcast %add3A_206 : i32 to vector<16xi32>
          %add3A_211 = arith.addi %add3A_210, %shift_right_logical3A_209 : vector<16xi32>
          %gather3A_212 = tpu.vector_load_idx %arg5[%add3A_211] : memref<6400xi32, #tpu.memory_space<vmem>>[vector<16xi32>], vector<16xi32>,
          %shift_left3A_213 = arith.constant 1 : i32
          %shift_left3A_214 = vector.broadcast %shift_left3A_213 : i32 to vector<16xi32>
          %shift_left3A_215 = arith.shli %gather3A_212, %shift_left3A_214 : vector<16xi32>
          %rem3A_216 = arith.constant 2 : i32
          %rem3A_217 = vector.broadcast %rem3A_216 : i32 to vector<16xi32>
          %rem3A_218 = arith.remsi %iota3A, %rem3A_217 : vector<16xi32>
          %add3A_219 = arith.addi %shift_left3A_215, %rem3A_218 : vector<16xi32>
          %mul3A_220 = arith.constant 2 : i32
          %mul3A_221 = arith.muli %add3A_205, %mul3A_220 : i32
          %dma_start3A_222 = arith.constant 1 : i32
          %dma_start3A_223 = arith.constant 0 : i32
          %dma_start3A_224 = tpu.memref_slice %arg6[%dma_start3A_222, %mul3A_221, %dma_start3A_223] : memref<2x256x16xf32, #tpu.memory_space<vmem>> -> memref<1x16x16xf32, #tpu.memory_space<vmem>>
          %dma_start3A_225 = tpu.memref_squeeze %dma_start3A_224 : memref<1x16x16xf32, #tpu.memory_space<vmem>> -> memref<16x16xf32, #tpu.memory_space<vmem>>
          %dma_start3A_226 = arith.constant 0 : i32
          %dma_start3A_227 = arith.constant 0 : i32
          %dma_start3A_228 = tpu.memref_slice %arg3[%dma_start3A_226, %dma_start3A_227] : memref<2000000x16xf32, #tpu.memory_space<hbm>> -> memref<2000000x16xf32, #tpu.memory_space<hbm>>
          %dma_start3A_229 = arith.constant -1 : i32
          tpu.enqueue_indirect_dma source(%dma_start3A_228 : memref<2000000x16xf32, #tpu.memory_space<hbm>>) target(%dma_start3A_225 : memref<16x16xf32, #tpu.memory_space<vmem>>) offsets(%add3A_219 : vector<16xi32>) offset_filter(%dma_start3A_229) semaphore(%arg13 : memref<!tpu.dma_semaphore, #tpu.memory_space<semaphore_mem>>)
          %mul3A_230 = arith.constant 32 : i32
          %mul3A_231 = arith.muli %add3A_149, %mul3A_230 : i32
          %add3A_232 = arith.constant 24 : i32
          %add3A_233 = arith.addi %mul3A_231, %add3A_232 : i32
          %add3A_234 = arith.addi %mul3A_139, %add3A_233 : i32
          %shift_right_logical3A_235 = arith.constant 1 : i32
          %shift_right_logical3A_236 = vector.broadcast %shift_right_logical3A_235 : i32 to vector<16xi32>
          %shift_right_logical3A_237 = arith.shrui %iota3A, %shift_right_logical3A_236 : vector<16xi32>
          %add3A_238 = vector.broadcast %add3A_234 : i32 to vector<16xi32>
          %add3A_239 = arith.addi %add3A_238, %shift_right_logical3A_237 : vector<16xi32>
          %gather3A_240 = tpu.vector_load_idx %arg5[%add3A_239] : memref<6400xi32, #tpu.memory_space<vmem>>[vector<16xi32>], vector<16xi32>,
          %shift_left3A_241 = arith.constant 1 : i32
          %shift_left3A_242 = vector.broadcast %shift_left3A_241 : i32 to vector<16xi32>
          %shift_left3A_243 = arith.shli %gather3A_240, %shift_left3A_242 : vector<16xi32>
          %rem3A_244 = arith.constant 2 : i32
          %rem3A_245 = vector.broadcast %rem3A_244 : i32 to vector<16xi32>
          %rem3A_246 = arith.remsi %iota3A, %rem3A_245 : vector<16xi32>
          %add3A_247 = arith.addi %shift_left3A_243, %rem3A_246 : vector<16xi32>
          %mul3A_248 = arith.constant 2 : i32
          %mul3A_249 = arith.muli %add3A_233, %mul3A_248 : i32
          %dma_start3A_250 = arith.constant 1 : i32
          %dma_start3A_251 = arith.constant 0 : i32
          %dma_start3A_252 = tpu.memref_slice %arg6[%dma_start3A_250, %mul3A_249, %dma_start3A_251] : memref<2x256x16xf32, #tpu.memory_space<vmem>> -> memref<1x16x16xf32, #tpu.memory_space<vmem>>
          %dma_start3A_253 = tpu.memref_squeeze %dma_start3A_252 : memref<1x16x16xf32, #tpu.memory_space<vmem>> -> memref<16x16xf32, #tpu.memory_space<vmem>>
          %dma_start3A_254 = arith.constant 0 : i32
          %dma_start3A_255 = arith.constant 0 : i32
          %dma_start3A_256 = tpu.memref_slice %arg3[%dma_start3A_254, %dma_start3A_255] : memref<2000000x16xf32, #tpu.memory_space<hbm>> -> memref<2000000x16xf32, #tpu.memory_space<hbm>>
          %dma_start3A_257 = arith.constant -1 : i32
          tpu.enqueue_indirect_dma source(%dma_start3A_256 : memref<2000000x16xf32, #tpu.memory_space<hbm>>) target(%dma_start3A_253 : memref<16x16xf32, #tpu.memory_space<vmem>>) offsets(%add3A_247 : vector<16xi32>) offset_filter(%dma_start3A_257) semaphore(%arg14 : memref<!tpu.dma_semaphore, #tpu.memory_space<semaphore_mem>>)
        }
        %scan3A_144 = arith.constant 4 : i32
      } else {
      }
    }
    %scan3A_16 = arith.constant 25 : i32
    %dma_wait3A = arith.constant 0 : i32
    %dma_wait3A_17 = arith.constant 0 : i32
    %dma_wait3A_18 = arith.constant 0 : i32
    %dma_wait3A_19 = tpu.memref_slice %arg6[%dma_wait3A, %dma_wait3A_17, %dma_wait3A_18] : memref<2x256x16xf32, #tpu.memory_space<vmem>> -> memref<1x256x16xf32, #tpu.memory_space<vmem>>
    %dma_wait3A_20 = tpu.memref_squeeze %dma_wait3A_19 : memref<1x256x16xf32, #tpu.memory_space<vmem>> -> memref<256x16xf32, #tpu.memory_space<vmem>>
    %dma_wait3A_21 = arith.constant 0 : i32
    %dma_wait3A_22 = arith.constant 0 : i32
    %dma_wait3A_23 = tpu.memref_slice %arg4[%mul3A_2, %dma_wait3A_21, %dma_wait3A_22] : memref<1600x256x16xf32, #tpu.memory_space<hbm>> -> memref<1x256x16xf32, #tpu.memory_space<hbm>>
    %dma_wait3A_24 = tpu.memref_squeeze %dma_wait3A_23 : memref<1x256x16xf32, #tpu.memory_space<hbm>> -> memref<256x16xf32, #tpu.memory_space<hbm>>
    %dma_wait3A_25 = arith.constant 0 : i32
    %dma_wait3A_26 = arith.constant 0 : i32
    %dma_wait3A_27 = tpu.memref_slice %arg4[%mul3A_2, %dma_wait3A_25, %dma_wait3A_26] : memref<1600x256x16xf32, #tpu.memory_space<hbm>> -> memref<1x256x16xf32, #tpu.memory_space<hbm>>
    %dma_wait3A_28 = tpu.memref_squeeze %dma_wait3A_27 : memref<1x256x16xf32, #tpu.memory_space<hbm>> -> memref<256x16xf32, #tpu.memory_space<hbm>>
    %dma_wait3A_29 = arith.constant 0 : i32
    %dma_wait3A_30 = arith.constant 0 : i32
    %dma_wait3A_31 = tpu.memref_slice %arg6[%dma_wait3A, %dma_wait3A_29, %dma_wait3A_30] : memref<2x256x16xf32, #tpu.memory_space<vmem>> -> memref<1x256x16xf32, #tpu.memory_space<vmem>>
    %dma_wait3A_32 = tpu.memref_squeeze %dma_wait3A_31 : memref<1x256x16xf32, #tpu.memory_space<vmem>> -> memref<256x16xf32, #tpu.memory_space<vmem>>
    tpu.wait_dma2 semaphore(%arg15 : memref<!tpu.dma_semaphore, #tpu.memory_space<semaphore_mem>>) src(%dma_wait3A_32 : memref<256x16xf32, #tpu.memory_space<vmem>>) dst(%dma_wait3A_28 : memref<256x16xf32, #tpu.memory_space<hbm>>)
    %dma_wait3A_33 = arith.constant 1 : i32
    %dma_wait3A_34 = arith.constant 0 : i32
    %dma_wait3A_35 = arith.constant 0 : i32
    %dma_wait3A_36 = tpu.memref_slice %arg6[%dma_wait3A_33, %dma_wait3A_34, %dma_wait3A_35] : memref<2x256x16xf32, #tpu.memory_space<vmem>> -> memref<1x256x16xf32, #tpu.memory_space<vmem>>
    %dma_wait3A_37 = tpu.memref_squeeze %dma_wait3A_36 : memref<1x256x16xf32, #tpu.memory_space<vmem>> -> memref<256x16xf32, #tpu.memory_space<vmem>>
    %dma_wait3A_38 = arith.constant 0 : i32
    %dma_wait3A_39 = arith.constant 0 : i32
    %dma_wait3A_40 = tpu.memref_slice %arg4[%mul3A_2, %dma_wait3A_38, %dma_wait3A_39] : memref<1600x256x16xf32, #tpu.memory_space<hbm>> -> memref<1x256x16xf32, #tpu.memory_space<hbm>>
    %dma_wait3A_41 = tpu.memref_squeeze %dma_wait3A_40 : memref<1x256x16xf32, #tpu.memory_space<hbm>> -> memref<256x16xf32, #tpu.memory_space<hbm>>
    %dma_wait3A_42 = arith.constant 0 : i32
    %dma_wait3A_43 = arith.constant 0 : i32
    %dma_wait3A_44 = tpu.memref_slice %arg4[%mul3A_2, %dma_wait3A_42, %dma_wait3A_43] : memref<1600x256x16xf32, #tpu.memory_space<hbm>> -> memref<1x256x16xf32, #tpu.memory_space<hbm>>
    %dma_wait3A_45 = tpu.memref_squeeze %dma_wait3A_44 : memref<1x256x16xf32, #tpu.memory_space<hbm>> -> memref<256x16xf32, #tpu.memory_space<hbm>>
    %dma_wait3A_46 = arith.constant 0 : i32
    %dma_wait3A_47 = arith.constant 0 : i32
    %dma_wait3A_48 = tpu.memref_slice %arg6[%dma_wait3A_33, %dma_wait3A_46, %dma_wait3A_47] : memref<2x256x16xf32, #tpu.memory_space<vmem>> -> memref<1x256x16xf32, #tpu.memory_space<vmem>>
    %dma_wait3A_49 = tpu.memref_squeeze %dma_wait3A_48 : memref<1x256x16xf32, #tpu.memory_space<vmem>> -> memref<256x16xf32, #tpu.memory_space<vmem>>
    tpu.wait_dma2 semaphore(%arg16 : memref<!tpu.dma_semaphore, #tpu.memory_space<semaphore_mem>>) src(%dma_wait3A_49 : memref<256x16xf32, #tpu.memory_space<vmem>>) dst(%dma_wait3A_45 : memref<256x16xf32, #tpu.memory_space<hbm>>)
    return
  }
}

</mosaic_0001>

<sc_bundles>
// kernel: kernel.3.cloned.1.call-start
scs
__scs_entry_jumppad:
0x0: {  	(pc) =	sbr.rel $0x88, $3  }
0x1: {  	(tag) =	ssettag $0x0;
	lr =	simm.s32 $0x1  }
0x2: {  	[smem:$0x3F9F] =	sst lr;
	_ =	strace $0xD0000000  }
0x3: {  	_ = 	snop  }
0x4: {  	_ = 	snop  }
0x5: {  	_ = 	snop  }
0x6: {  	_ = 	snop  }
0x7: {  	_ = 	snop  }
__scs_overlays_trampoline_lowered:
0x8: {  	[smem:$0x3FAE] =	sst s0  }
0x9: {  	[smem:$0x3FAF] =	sst s1  }
0xa: {  	[smem:$0x3FB0] =	sst s2  }
0xb: {  	[smem:$0x3FB1] =	sst s3  }
0xc: {  	[smem:$0x3FB2] =	sst s4  }
0xd: {  	[smem:$0x3FB3] =	sst s5  }
0xe: {  	[smem:$0x3FB4] =	sst s6  }
0xf: {  	[smem:$0x3FB5] =	sst s7  }
0x10: {  	[smem:$0x3FB6] =	sst s8  }
0x11: {  	[smem:$0x3FB7] =	sst s9;
	s0 =	simm.s32 @!p0 $0x0  }
0x12: {  	s1 =	sld [smem:$0x3F9D];
	s0 =	simm.s32 @p0 $0x1  }
0x13: {  	[smem:$0x3FB8] =	sst s0;
	s0 =	simm.s32 @!p1 $0x0  }
0x14: {  	s2 =	sld [smem:$0x3F9C];
	s0 =	simm.s32 @p1 $0x1  }
0x15: {  	[smem:$0x3FB9] =	sst s0;
	s0 =	simm.s32 @!p2 $0x0  }
0x16: {  	s3 =	sld [smem:$0x3FDB];
	s0 =	simm.s32 @p2 $0x1  }
0x17: {  	s4 =	simm.s32 $0x1BF5;
	[smem:$0x3FBB] =	sst s0  }
0x18: {  	s0 =	sld [smem:$0x3F9E];
	_ =	swait.ge [sflag:s4], $0x0  }
0x19: {  	s7 =	sld [smem:$0x3F9F]  }
0x1a: {  	s8 =	sadd.s32 $0xFFFFE003, lr  }
0x1b: {  	s9 =	sadd.s32 $0xFFFFFEF7, lr;
	s5 =	simm.s32 $0xFFFFFFFF;
	p2 =	slt.u32 s8, $0xFFFFF086  }
0x1c: {  	p1 =	slt.u32 s9, $0xF7A;
	s5 =	simm.s32 @!p2 $0x0  }
0x1d: {  	s5 =	simm.s32 @p1 $0x1;
	p0 =	seq.s32 s7, s2  }
0x1e: {  	s7 =	smul.u32 @!p0 $0xF7A, s2;
	p2 =	seq.s32 @!p0 s5, $0x0  }
0x1f: {  	s9 =	smul.u32 $0xF7A, s1;
	s8 =	simm.s32 @!p0 $0x1BF5;
	p2 =	por !p2, p0  }
0x20: {  	[sflag:s8] =	ssyncset.s32 @!p0 $0xFFFFF086;
	s6 =	sadd.s32 @!p0 s3, s7;
	s7 =	simm.s32 @!p0 $0x108  }
0x21: {  	s3 =	sadd.s32 s3, s9;
	s6 =	sadd.s32 @!p0 $0x88, s6;
	s7 =	simm.s32 @p2 $0x1082  }
0x22: {  	[simem:s7], [sflag:s8] =	dma.local @!p0 [hbm:s6], $0xF7A  }
0x23: {  	s9 =	sor.u32 $0xD0000000, s2;
	s6 =	simm.s32 $0x108;
	_ =	swait.ge @!p0 [sflag:s8], $0x0  }
0x24: {  	s3 =	sadd.s32 $0x88, s3;
	s6 =	simm.s32 @!p1 $0x1082;
	[sflag:s4] =	ssyncset.s32 $0xFFFFF086  }
0x25: {  	[simem:s6], [sflag:s4] =	dma.local [hbm:s3], $0xF7A  }
0x26: {  	[smem:$0x3F9F] =	sst s1;
	(tag) =	ssettag s2;
	_ =	strace s9  }
0x27: {  	s1 =	sld [smem:$0x3FAF]  }
0x28: {  	s2 =	sld [smem:$0x3FB0]  }
0x29: {  	s4 =	sld [smem:$0x3FB2]  }
0x2a: {  	p0 =	seq.s32 s5, $0x0;
	s5 =	sld [smem:$0x3FB3]  }
0x2b: {  	s6 =	sld [smem:$0x3FB4]  }
0x2c: {  	s7 =	sld [smem:$0x3FB5]  }
0x2d: {  	s3 =	simm.s32 $0x108;
	s8 =	sld [smem:$0x3FB6]  }
0x2e: {  	s3 =	simm.s32 @!p0 $0x1082;
	s9 =	sld [smem:$0x3FB7]  }
0x2f: {  	lr =	sadd.s32 s0, s3;
	s0 =	sld [smem:$0x3FAE]  }
0x30: {  	s3 =	sld [smem:$0x3FB1]  }
0x31: {  	[smem:$0x3FBA] =	sst s10  }
0x32: {  	s10 =	sld [smem:$0x3FB8];
	_ =	sdelay $0x3  }
0x33: {  	p0 =	seq.s32 s10, $0x1;
	s10 =	sld [smem:$0x3FBA];
	_ =	sdelay $0x3  }
0x34: {  	[smem:$0x3FBA] =	sst s10  }
0x35: {  	s10 =	sld [smem:$0x3FB9];
	_ =	sdelay $0x3  }
0x36: {  	p1 =	seq.s32 s10, $0x1;
	s10 =	sld [smem:$0x3FBA];
	_ =	sdelay $0x3  }
0x37: {  	[smem:$0x3FBA] =	sst s10  }
0x38: {  	s10 =	sld [smem:$0x3FBB]  }
0x39: {  	_ = 	snop;
	(pc) =	sbr.ind lr, $3  }
0x3a: {  	_ = 	snop  }
0x3b: {  	_ = 	snop  }
0x3c: {  	p2 =	seq.s32 s10, $0x1;
	s10 =	sld [smem:$0x3FBA]  }
0x3d: {  	_ =	shalt  }
0x3e: {  	_ =	shalt  }
0x3f: {  	_ =	shalt  }
0x40: {  	_ =	shalt  }
0x41: {  	_ =	shalt  }
0x42: {  	_ =	shalt  }
0x43: {  	_ =	shalt  }
0x44: {  	_ =	shalt  }
0x45: {  	_ =	shalt  }
0x46: {  	_ =	shalt  }
0x47: {  	_ =	shalt  }
0x48: {  	_ =	shalt  }
0x49: {  	_ =	shalt  }
0x4a: {  	_ =	shalt  }
0x4b: {  	_ =	shalt  }
0x4c: {  	_ =	shalt  }
0x4d: {  	_ =	shalt  }
0x4e: {  	_ =	shalt  }
0x4f: {  	_ =	shalt  }
0x50: {  	_ =	shalt  }
0x51: {  	_ =	shalt  }
0x52: {  	_ =	shalt  }
0x53: {  	_ =	shalt  }
0x54: {  	_ =	shalt  }
0x55: {  	_ =	shalt  }
0x56: {  	_ =	shalt  }
0x57: {  	_ =	shalt  }
0x58: {  	_ =	shalt  }
0x59: {  	_ =	shalt  }
0x5a: {  	_ =	shalt  }
0x5b: {  	_ =	shalt  }
0x5c: {  	_ =	shalt  }
0x5d: {  	_ =	shalt  }
0x5e: {  	_ =	shalt  }
0x5f: {  	_ =	shalt  }
0x60: {  	_ =	shalt  }
0x61: {  	_ =	shalt  }
0x62: {  	_ =	shalt  }
0x63: {  	_ =	shalt  }
0x64: {  	_ =	shalt  }
0x65: {  	_ =	shalt  }
0x66: {  	_ =	shalt  }
0x67: {  	_ =	shalt  }
0x68: {  	_ =	shalt  }
0x69: {  	_ =	shalt  }
0x6a: {  	_ =	shalt  }
0x6b: {  	_ =	shalt  }
0x6c: {  	_ =	shalt  }
0x6d: {  	_ =	shalt  }
0x6e: {  	_ =	shalt  }
0x6f: {  	_ =	shalt  }
0x70: {  	_ =	shalt  }
0x71: {  	_ =	shalt  }
0x72: {  	_ =	shalt  }
0x73: {  	_ =	shalt  }
0x74: {  	_ =	shalt  }
0x75: {  	_ =	shalt  }
0x76: {  	_ =	shalt  }
0x77: {  	_ =	shalt  }
0x78: {  	_ =	shalt  }
0x79: {  	_ =	shalt  }
0x7a: {  	_ =	shalt  }
0x7b: {  	_ =	shalt  }
0x7c: {  	_ =	shalt  }
0x7d: {  	_ =	shalt  }
0x7e: {  	_ =	shalt  }
0x7f: {  	_ =	shalt  }
0x80: {  	_ =	shalt  }
0x81: {  	_ =	shalt  }
0x82: {  	_ =	shalt  }
0x83: {  	_ =	shalt  }
0x84: {  	_ =	shalt  }
0x85: {  	_ =	shalt  }
0x86: {  	_ =	shalt  }
0x87: {  	_ =	shalt  }
.Lfunc_end0:
.L_simem_size_0:
called_computation_lowered:
.L_overlay_start_0:
0x88: {  	s2 =	sld [smem:$0x3FD9]  }
0x89: {  	s3 =	sld [smem:$0x3FFE];
	_ =	sdelay $0x1  }
0x8a: {  	s1 =	srdreg.scid  }
0x8b: {  	s0 =	sand.u32 $0x1, s1  }
0x8c: {  	s17 =	sshll.u32 s0, $0xA;
	s2 =	sadd.s32 s3, s2  }
0x8d: {  	s2 =	sadd.s32 s2, s17  }
0x8e: {  	[smem:$0x3FC6] =	sst s2  }
0x8f: {  	_ = 	snop  }
0x90: {  	s2 =	sld [smem:$0x3FD0];
	(tm) =	ssettm $0x1  }
0x91: {  	s18 =	sld [smem:$0x3FFB];
	_ =	sdelay $0x3  }
0x92: {  	_ =	strace s18  }
0x93: {  	s3 =	sld [smem:$0x3FFC];
	_ =	sdelay $0x3  }
0x94: {  	_ =	strace s3  }
0x95: {  	s3 =	sld [smem:$0x3FFD];
	_ =	sdelay $0x3  }
0x96: {  	_ =	strace s3  }
0x97: {  	_ =	strace $0x8FFFFFFF  }
0x98: {  	s19 =	sld [smem:$0x3FDB];
	_ =	sdelay $0x1  }
0x99: {  	s4 =	simm.s32 $_scs_section_size  }
0x9a: {  	s5 =	simm.s32 $_size__tile_overlayer_lowered;
	s6 =	simm.s32 $_tile_overlayer_lowered  }
0x9b: {  	s22 =	simm.s32 $0x1BFF;
	s21 =	sshll.u32 s6, $0x1;
	s3 =	sadd.s32 s4, s19  }
0x9c: {  	s7 =	simm.s32 $0x0;
	s20 =	sshll.u32 s5, $0x1;
	s5 =	sadd.s32 s21, s3  }
0x9d: {  	[timem:s7], [sflag:s22] =	dma.local [hbm:s5], s20  }
0x9e: {  	_ =	swait.ge [sflag:s22], s20  }
0x9f: {  	s4 =	ssub.s32 $0x0, s20;
	[sflag:s22] =	ssyncset.done $0x0  }
0xa0: {  	[sflag:s22] =	ssyncadd.s32 s4;
	_ =	sdelay $0x1  }
0xa1: {  	s23 =	simm.s32 $0x1B8B  }
0xa2: {  	_ =	swait.ge [sflag:s23], $0x1  }
0xa3: {  	[sflag:s23] =	ssyncset.done $0x0  }
0xa4: {  	s25 =	simm.s32 $0x1B8E;
	s24 =	sld [smem:$0x3FFE];
	[sflag:s23] =	ssyncadd.s32 $0xFFFFFFFF  }
0xa5: {  	s26 =	simm.s32 $execute0_lowered;
	[smem:$0x3FD2] =	sst s25  }
0xa6: {  	s5 =	sshll.u32 s26, $0x1;
	_ =	strace $0x80000046;
	[dreg:$0x1] =	wrdreg $0xFFFFFFFF  }
0xa7: {  	s28 =	simm.s32 $_size_execute0_lowered;
	s3 =	sadd.s32 s3, s5;
	[dreg:$0x0] =	wrdreg $0x0  }
0xa8: {  	s5 =	sshll.u32 s28, $0x1;
	[dreg:$0x2] =	wrdreg s3  }
0xa9: {  	[dreg:$0x3] =	wrdreg s5  }
0xaa: {  	[dreg:$0x4] =	wrdreg $0xC0  }
0xab: {  	_ =	task [dreg:s7], $0x5FFFF  }
0xac: {  	[dreg:$0x1] =	wrdreg $0xFFFFFFFF  }
0xad: {  	[dreg:$0x0] =	wrdreg $0x60  }
0xae: {  	[dreg:$0x2] =	wrdreg s24  }
0xaf: {  	[dreg:$0x3] =	wrdreg s2  }
0xb0: {  	[dreg:$0x4] =	wrdreg $0x9  }
0xb1: {  	_ =	task.clear_ibuf [dreg:s7], $0x5FFFF;
	_ =	strace $0x90000046  }
0xb2: {  	s29 =	simm.s32 $0x9;
	_ =	strace $0x80000048  }
0xb3: {  	_ =	swait.ge [sflag:s29], $0x1  }
0xb4: {  	[sflag:s29] =	ssyncadd.s32 $0xFFFFFFFF  }
0xb5: {  	_ =	strace $0x90000048  }
0xb6: {  	_ =	sfence  }
0xb7: {  	s30 =	sld [smem:$0x0];
	_ =	sdelay $0x2  }
0xb8: {  	s31 =	sshll.u32 s1, $0xD;
	s1 =	sshrl.u32 s1, $0x2  }
0xb9: {  	s3 =	sand.u32 $0x4000, s31;
	s1 =	sadd.s32 s1, s30  }
0xba: {  	s0 =	sor.u32 s3, s0;
	s1 =	sshll.u32 s1, $0x11  }
0xbb: {  	s0 =	sor.u32 s1, s0  }
0xbc: {  	s0 =	sadd.s32 $0x8F2B, s0  }
0xbd: {  	[sflag:s0] =	ssyncadd.remote.s32 $0x1  }
0xbe: {  	_ =	sfence.sel $0xFFFF  }
0xbf: {  	[dreg:$0x0] =	wrdreg $0xFFFFFFFF;
	(pc) =	sbr.abs _section_cstart, $3  }
0xc0: {  	[dreg:$0x1] =	wrdreg $0xFFFFFFFF  }
0xc1: {  	_ =	task.clear_ibuf [dreg:s7], $0x2FFFF;
	_ =	strace $0x9FFFFFFF  }
0xc2: {  	(tm) =	ssettm $0x7FFFFFFF  }
0xc3: {  	_ =	shalt  }
tec
execute0_lowered:
.L_overlay_start_1:
0x0: {  	(tag) =	ssettag $0x1  }
0x1: {  	s4 =	rddreg [dreg:$0x0]  }
0x2: {  	s1 =	srdreg.scid;
	s0 =	stileid.u32  }
0x3: {  	s2 =	rddreg [dreg:$0x1];
	s3 =	simm.s32 $0x0;
	s9 =	simm.s32 $0xB  }
0x4: {  	s10 =	simm.s32 $0x1;
	s11 =	simm.s32 $0x2;
	s12 =	simm.s32 $0x3  }
0x5: {  	s13 =	simm.s32 $0x4;
	s14 =	simm.s32 $0x1900;
	s15 =	simm.s32 $0x5  }
0x6: {  	s16 =	simm.s32 $0x6;
	s17 =	simm.s32 $0x7;
	s18 =	simm.s32 $0x8  }
0x7: {  	s19 =	simm.s32 $0x2900;
	s20 =	simm.s32 $0x9;
	s21 =	simm.s32 $0xA  }
0x8: {  	s22 =	simm.s32 $0x0;
	s5 =	sand.u32 $0x1, s1;
	s6 =	sshll.u32 s0, $0x1  }
.Ltmp0:
0x9: {  	s1 =	rddreg [dreg:$0x2];
	s6 =	sor.u32 s5, s6;
	(pc) =	sbr.rel .LBB2_1-.Ltmp0, $4  }
0xa: {  	[smem:$0x7FF] =	sst s3;
	s5 =	ssub.s32 $0x2, s5;
	s7 =	smul.u32 $0x320, s6  }
0xb: {  	v0 =	vimm.s32 $0x0;
	vm0 =	vcmask $0x300;
	_ =	strace $0x80000047;
	s8 =	sshrl.u32 s5, $0x1;
	s6 =	smul.u32 $0x6400, s6  }
0xc: {  	v2 =	vlaneseq.u32;
	v0 =	vsel vm0, $0x3, v0;
	s8 =	ssub.s32 s5, s8;
	s7 =	sadd.s32 s7, s4;
	s4 =	sadd.s32 $0xF42A00, s4  }
0xd: {  	v1 =	vshrl.u32 v2, $0x1;
	vm0 =	vmmov $0xffff;
	v2 =	vand.u32 $0x1, v2;
	s8 =	smax.u32 s8, $0x1;
	s5 =	sadd.s32 $0x600, s7;
	s7 =	sadd.s32 $0x200, s2  }
.LBB2_11:
0xe: {  	s22 =	sadd.s32 $0x1, s22  }
0xf: {  	p0 =	sne.s32 s22, s8  }
.Ltmp1:
0x10: {  	_ = 	snop;
	(pc) =	sbr.rel @!p0 .LBB2_12-.Ltmp1, $4  }
0x11: {  	_ = 	snop  }
0x12: {  	_ =	swait.ge [sflag:s21], $0x1000  }
0x13: {  	[sflag:s21] =	ssyncset.done $0x0  }
0x14: {  	[sflag:s21] =	ssyncadd.s32 $0xFFFFF000  }
.LBB2_1:
0x15: {  	[tilespmem:s3], [sflag:$0xB] =	stream.linear.gather [hbm4b:s5+s3], $0x1900, $0x38;
	[tilespmem:$0x3900] =	vst v63  }
0x16: {  	_ =	swait.ge [sflag:s9], $0x1900  }
0x17: {  	[sflag:s9] =	ssyncset.done $0x0  }
0x18: {  	s23 =	simm.s32 $0x18;
	s24 =	simm.s32 $0x1900;
	[sflag:s9] =	ssyncadd.s32 $0xFFFFE700  }
.LBB2_2:
0x19: {  	s25 =	sadd.s32 $0xFFFFFFE8, s23  }
0x1a: {  	v3 =	vmov s25  }
0x1b: {  	v3 =	vshrl.u32 v3, $0x3  }
0x1c: {  	v3 =	vshll.u32 v3, v0  }
0x1d: {  	v3 =	vbroadcast v3, $0x0;
	_ =	sdelay $0x1  }
0x1e: {  	v3 =	vor.u32 v1, v3;
	_ =	sdelay $0x4  }
0x1f: {  	v3 =	vld.idx.msk [tilespmem:v3+s3+$0x0], $0xffff  }
0x20: {  	s26 =	sadd.s32 $0xFFFFFFF0, s23  }
0x21: {  	v4 =	vmov s26  }
0x22: {  	v4 =	vshrl.u32 v4, $0x3  }
0x23: {  	v4 =	vshll.u32 v4, v0  }
0x24: {  	v4 =	vbroadcast v4, $0x0;
	v3 =	vshll.u32 v3, $0x1  }
0x25: {  	v3 =	vor.u32 v2, v3  }
0x26: {  	v4 =	vor.u32 v1, v4;
	_ =	sdelay $0x1  }
0x27: {  	(ifvalue) =	ssetifvalue $0xFFFFFFFF  }
0x28: {  	(ifvalue) =	ssetifvalue $0xFFFFFFFF  }
0x29: {  	[tilespmem:s24], [sflag:$0x1] =	stream.indirect_vreg.gather [hbm4b:s4+s3], $0x10, v3, vm0, $0x40b8;
	[tilespmem:$0x3900] =	vst v63  }
0x2a: {  	v3 =	vld.idx.msk [tilespmem:v4+s3+$0x0], $0xffff  }
0x2b: {  	s28 =	sadd.s32 $0xFFFFFFF8, s23  }
0x2c: {  	v62 =	vmov s28  }
0x2d: {  	v4 =	vshrl.u32 v62, $0x3  }
0x2e: {  	v4 =	vshll.u32 v4, v0  }
0x2f: {  	v4 =	vbroadcast v4, $0x0;
	v3 =	vshll.u32 v3, $0x1  }
0x30: {  	v3 =	vor.u32 v2, v3  }
0x31: {  	v4 =	vor.u32 v1, v4;
	_ =	sdelay $0x1  }
0x32: {  	(ifvalue) =	ssetifvalue $0xFFFFFFFF  }
0x33: {  	s29 =	sadd.s32 $0x100, s24;
	(ifvalue) =	ssetifvalue $0xFFFFFFFF  }
0x34: {  	[tilespmem:s29], [sflag:$0x2] =	stream.indirect_vreg.gather [hbm4b:s4+s3], $0x10, v3, vm0, $0x40b8;
	[tilespmem:$0x3900] =	vst v63  }
0x35: {  	v3 =	vld.idx.msk [tilespmem:v4+s3+$0x0], $0xffff;
	_ =	sdelay $0x1  }
0x36: {  	v63 =	vmov s23  }
0x37: {  	v4 =	vshrl.u32 v63, $0x3  }
0x38: {  	v4 =	vshll.u32 v4, v0  }
0x39: {  	v4 =	vbroadcast v4, $0x0;
	v3 =	vshll.u32 v3, $0x1  }
0x3a: {  	v3 =	vor.u32 v2, v3  }
0x3b: {  	v4 =	vor.u32 v1, v4;
	_ =	sdelay $0x1  }
0x3c: {  	(ifvalue) =	ssetifvalue $0xFFFFFFFF  }
0x3d: {  	s30 =	sadd.s32 $0x200, s24;
	(ifvalue) =	ssetifvalue $0xFFFFFFFF  }
0x3e: {  	[tilespmem:s30], [sflag:$0x3] =	stream.indirect_vreg.gather [hbm4b:s4+s3], $0x10, v3, vm0, $0x40b8;
	[tilespmem:$0x3900] =	vst v63  }
0x3f: {  	v3 =	vld.idx.msk [tilespmem:v4+s3+$0x0], $0xffff;
	_ =	sdelay $0x4  }
0x40: {  	v3 =	vshll.u32 v3, $0x1  }
0x41: {  	p0 =	sne.s32 s23, $0x78;
	v3 =	vor.u32 v2, v3  }
.Ltmp2:
0x42: {  	_ = 	snop;
	(pc) =	sbr.rel @p0 .LBB2_2-.Ltmp2, $4  }
0x43: {  	_ = 	snop  }
0x44: {  	s31 =	sadd.s32 $0x300, s24;
	(ifvalue) =	ssetifvalue $0xFFFFFFFF  }
0x45: {  	s23 =	sadd.s32 $0x20, s23;
	s24 =	sadd.s32 $0x400, s24;
	(ifvalue) =	ssetifvalue $0xFFFFFFFF  }
0x46: {  	[tilespmem:s31], [sflag:$0x4] =	stream.indirect_vreg.gather [hbm4b:s4+s3], $0x10, v3, vm0, $0x40b8;
	[tilespmem:$0x3900] =	vst v63  }
0x47: {  	s24 =	simm.s32 $0x98;
	s25 =	simm.s32 $0x2C00  }
.LBB2_4:
0x48: {  	s23 =	sadd.s32 $0xFFFFFFE8, s24  }
0x49: {  	v3 =	vmov s23  }
0x4a: {  	v3 =	vshrl.u32 v3, $0x3  }
0x4b: {  	v3 =	vshll.u32 v3, v0  }
0x4c: {  	v3 =	vbroadcast v3, $0x0;
	_ =	sdelay $0x1  }
0x4d: {  	v3 =	vor.u32 v1, v3;
	_ =	sdelay $0x3  }
0x4e: {  	s23 =	simm.s32 $0x0  }
0x4f: {  	v3 =	vld.idx.msk [tilespmem:v3+s23+$0x0], $0xffff  }
0x50: {  	s26 =	sadd.s32 $0xFFFFFFF0, s24  }
0x51: {  	v4 =	vmov s26  }
0x52: {  	v4 =	vshrl.u32 v4, $0x3  }
0x53: {  	v4 =	vshll.u32 v4, v0  }
0x54: {  	v4 =	vbroadcast v4, $0x0;
	v3 =	vshll.u32 v3, $0x1  }
0x55: {  	v3 =	vor.u32 v2, v3  }
0x56: {  	v4 =	vor.u32 v1, v4;
	_ =	sdelay $0x1  }
0x57: {  	(ifvalue) =	ssetifvalue $0xFFFFFFFF  }
0x58: {  	s28 =	sadd.s32 $0xFFFFFD00, s25;
	(ifvalue) =	ssetifvalue $0xFFFFFFFF  }
0x59: {  	[tilespmem:s28], [sflag:$0x5] =	stream.indirect_vreg.gather [hbm4b:s4+s23], $0x10, v3, vm0, $0x40b8;
	[tilespmem:$0x3900] =	vst v63  }
0x5a: {  	v3 =	vld.idx.msk [tilespmem:v4+s23+$0x0], $0xffff  }
0x5b: {  	s29 =	sadd.s32 $0xFFFFFFF8, s24  }
0x5c: {  	v62 =	vmov s29  }
0x5d: {  	v4 =	vshrl.u32 v62, $0x3  }
0x5e: {  	v4 =	vshll.u32 v4, v0  }
0x5f: {  	v4 =	vbroadcast v4, $0x0;
	v3 =	vshll.u32 v3, $0x1  }
0x60: {  	v3 =	vor.u32 v2, v3  }
0x61: {  	v4 =	vor.u32 v1, v4;
	_ =	sdelay $0x1  }
0x62: {  	(ifvalue) =	ssetifvalue $0xFFFFFFFF  }
0x63: {  	s30 =	sadd.s32 $0xFFFFFE00, s25;
	(ifvalue) =	ssetifvalue $0xFFFFFFFF  }
0x64: {  	[tilespmem:s30], [sflag:$0x6] =	stream.indirect_vreg.gather [hbm4b:s4+s23], $0x10, v3, vm0, $0x40b8;
	[tilespmem:$0x3900] =	vst v63  }
0x65: {  	v3 =	vld.idx.msk [tilespmem:v4+s23+$0x0], $0xffff;
	_ =	sdelay $0x1  }
0x66: {  	v63 =	vmov s24  }
0x67: {  	v4 =	vshrl.u32 v63, $0x3  }
0x68: {  	v4 =	vshll.u32 v4, v0  }
0x69: {  	v4 =	vbroadcast v4, $0x0;
	v3 =	vshll.u32 v3, $0x1  }
0x6a: {  	v3 =	vor.u32 v2, v3  }
0x6b: {  	v4 =	vor.u32 v1, v4;
	_ =	sdelay $0x1  }
0x6c: {  	(ifvalue) =	ssetifvalue $0xFFFFFFFF  }
0x6d: {  	s31 =	sadd.s32 $0xFFFFFF00, s25;
	(ifvalue) =	ssetifvalue $0xFFFFFFFF  }
0x6e: {  	[tilespmem:s31], [sflag:$0x7] =	stream.indirect_vreg.gather [hbm4b:s4+s23], $0x10, v3, vm0, $0x40b8;
	[tilespmem:$0x3900] =	vst v63  }
0x6f: {  	v3 =	vld.idx.msk [tilespmem:v4+s23+$0x0], $0xffff;
	_ =	sdelay $0x4  }
0x70: {  	v3 =	vshll.u32 v3, $0x1  }
0x71: {  	v3 =	vor.u32 v2, v3  }
0x72: {  	p0 =	sne.s32 s24, $0xF8  }
.Ltmp3:
0x73: {  	_ = 	snop;
	(pc) =	sbr.rel @p0 .LBB2_4-.Ltmp3, $4  }
0x74: {  	(ifvalue) =	ssetifvalue $0xFFFFFFFF  }
0x75: {  	(ifvalue) =	ssetifvalue $0xFFFFFFFF  }
0x76: {  	[tilespmem:s25], [sflag:$0x8] =	stream.indirect_vreg.gather [hbm4b:s4+s23], $0x10, v3, vm0, $0x40b8;
	[tilespmem:$0x3900] =	vst v63  }
0x77: {  	s24 =	sadd.s32 $0x20, s24;
	s25 =	sadd.s32 $0x400, s25  }
0x78: {  	s24 =	simm.s32 $0x100;
	s25 =	simm.s32 $0x180;
	s26 =	simm.s32 $0x0  }
.LBB2_6:
0x79: {  	_ =	swait.ge [sflag:s10], $0x100  }
0x7a: {  	[sflag:s10] =	ssyncset.done $0x0  }
0x7b: {  	[sflag:s10] =	ssyncadd.s32 $0xFFFFFF00  }
0x7c: {  	_ =	swait.ge [sflag:s11], $0x100  }
0x7d: {  	[sflag:s11] =	ssyncset.done $0x0  }
0x7e: {  	[sflag:s11] =	ssyncadd.s32 $0xFFFFFF00  }
0x7f: {  	_ =	swait.ge [sflag:s12], $0x100  }
0x80: {  	[sflag:s12] =	ssyncset.done $0x0  }
0x81: {  	[sflag:s12] =	ssyncadd.s32 $0xFFFFFF00  }
0x82: {  	_ =	swait.ge [sflag:s13], $0x100  }
0x83: {  	[sflag:s13] =	ssyncset.done $0x0  }
0x84: {  	[sflag:s13] =	ssyncadd.s32 $0xFFFFFF00  }
0x85: {  	_ =	swait.ge [sflag:s10], $0x100  }
0x86: {  	[sflag:s10] =	ssyncset.done $0x0  }
0x87: {  	[sflag:s10] =	ssyncadd.s32 $0xFFFFFF00  }
0x88: {  	_ =	swait.ge [sflag:s11], $0x100  }
0x89: {  	[sflag:s11] =	ssyncset.done $0x0  }
0x8a: {  	[sflag:s11] =	ssyncadd.s32 $0xFFFFFF00  }
0x8b: {  	_ =	swait.ge [sflag:s12], $0x100  }
0x8c: {  	[sflag:s12] =	ssyncset.done $0x0  }
0x8d: {  	[sflag:s12] =	ssyncadd.s32 $0xFFFFFF00  }
0x8e: {  	_ =	swait.ge [sflag:s13], $0x100  }
0x8f: {  	[sflag:s13] =	ssyncset.done $0x0  }
0x90: {  	[sflag:s13] =	ssyncadd.s32 $0xFFFFFF00  }
0x91: {  	_ =	swait.ge [sflag:s10], $0x100  }
0x92: {  	[sflag:s10] =	ssyncset.done $0x0  }
0x93: {  	[sflag:s10] =	ssyncadd.s32 $0xFFFFFF00  }
0x94: {  	_ =	swait.ge [sflag:s11], $0x100  }
0x95: {  	[sflag:s11] =	ssyncset.done $0x0  }
0x96: {  	[sflag:s11] =	ssyncadd.s32 $0xFFFFFF00  }
0x97: {  	_ =	swait.ge [sflag:s12], $0x100  }
0x98: {  	[sflag:s12] =	ssyncset.done $0x0  }
0x99: {  	[sflag:s12] =	ssyncadd.s32 $0xFFFFFF00  }
0x9a: {  	_ =	swait.ge [sflag:s13], $0x100  }
0x9b: {  	[sflag:s13] =	ssyncset.done $0x0  }
0x9c: {  	[sflag:s13] =	ssyncadd.s32 $0xFFFFFF00  }
0x9d: {  	_ =	swait.ge [sflag:s10], $0x100  }
0x9e: {  	[sflag:s10] =	ssyncset.done $0x0  }
0x9f: {  	[sflag:s10] =	ssyncadd.s32 $0xFFFFFF00  }
0xa0: {  	_ =	swait.ge [sflag:s11], $0x100  }
0xa1: {  	[sflag:s11] =	ssyncset.done $0x0  }
0xa2: {  	[sflag:s11] =	ssyncadd.s32 $0xFFFFFF00  }
0xa3: {  	_ =	swait.ge [sflag:s12], $0x100  }
0xa4: {  	[sflag:s12] =	ssyncset.done $0x0  }
0xa5: {  	[sflag:s12] =	ssyncadd.s32 $0xFFFFFF00  }
0xa6: {  	s28 =	sshll.u32 s26, $0xA;
	_ =	swait.ge [sflag:s13], $0x100  }
0xa7: {  	s28 =	sadd.s32 s6, s28;
	[sflag:s13] =	ssyncset.done $0x0  }
0xa8: {  	s29 =	sadd.s32 s2, s28;
	[sflag:s13] =	ssyncadd.s32 $0xFFFFFF00  }
0xa9: {  	[hbm4b:s29+s23] =	stream.linear.scatter [tilespmem:s14], [sflag:$0x9], $0x1000, $0x38;
	[tilespmem:$0x3900] =	vst v63  }
0xaa: {  	_ =	swait.ge [sflag:s15], $0x100  }
0xab: {  	[sflag:s15] =	ssyncset.done $0x0  }
0xac: {  	[sflag:s15] =	ssyncadd.s32 $0xFFFFFF00  }
0xad: {  	_ =	swait.ge [sflag:s16], $0x100  }
0xae: {  	[sflag:s16] =	ssyncset.done $0x0  }
0xaf: {  	[sflag:s16] =	ssyncadd.s32 $0xFFFFFF00  }
0xb0: {  	_ =	swait.ge [sflag:s17], $0x100  }
0xb1: {  	[sflag:s17] =	ssyncset.done $0x0  }
0xb2: {  	[sflag:s17] =	ssyncadd.s32 $0xFFFFFF00  }
0xb3: {  	_ =	swait.ge [sflag:s18], $0x100  }
0xb4: {  	[sflag:s18] =	ssyncset.done $0x0  }
0xb5: {  	[sflag:s18] =	ssyncadd.s32 $0xFFFFFF00  }
0xb6: {  	_ =	swait.ge [sflag:s15], $0x100  }
0xb7: {  	[sflag:s15] =	ssyncset.done $0x0  }
0xb8: {  	[sflag:s15] =	ssyncadd.s32 $0xFFFFFF00  }
0xb9: {  	_ =	swait.ge [sflag:s16], $0x100  }
0xba: {  	[sflag:s16] =	ssyncset.done $0x0  }
0xbb: {  	[sflag:s16] =	ssyncadd.s32 $0xFFFFFF00  }
0xbc: {  	_ =	swait.ge [sflag:s17], $0x100  }
0xbd: {  	[sflag:s17] =	ssyncset.done $0x0  }
0xbe: {  	[sflag:s17] =	ssyncadd.s32 $0xFFFFFF00  }
0xbf: {  	_ =	swait.ge [sflag:s18], $0x100  }
0xc0: {  	[sflag:s18] =	ssyncset.done $0x0  }
0xc1: {  	[sflag:s18] =	ssyncadd.s32 $0xFFFFFF00  }
0xc2: {  	_ =	swait.ge [sflag:s15], $0x100  }
0xc3: {  	[sflag:s15] =	ssyncset.done $0x0  }
0xc4: {  	[sflag:s15] =	ssyncadd.s32 $0xFFFFFF00  }
0xc5: {  	_ =	swait.ge [sflag:s16], $0x100  }
0xc6: {  	[sflag:s16] =	ssyncset.done $0x0  }
0xc7: {  	[sflag:s16] =	ssyncadd.s32 $0xFFFFFF00  }
0xc8: {  	_ =	swait.ge [sflag:s17], $0x100  }
0xc9: {  	[sflag:s17] =	ssyncset.done $0x0  }
0xca: {  	[sflag:s17] =	ssyncadd.s32 $0xFFFFFF00  }
0xcb: {  	_ =	swait.ge [sflag:s18], $0x100  }
0xcc: {  	[sflag:s18] =	ssyncset.done $0x0  }
0xcd: {  	[sflag:s18] =	ssyncadd.s32 $0xFFFFFF00  }
0xce: {  	_ =	swait.ge [sflag:s15], $0x100  }
0xcf: {  	[sflag:s15] =	ssyncset.done $0x0  }
0xd0: {  	[sflag:s15] =	ssyncadd.s32 $0xFFFFFF00  }
0xd1: {  	_ =	swait.ge [sflag:s16], $0x100  }
0xd2: {  	[sflag:s16] =	ssyncset.done $0x0  }
0xd3: {  	[sflag:s16] =	ssyncadd.s32 $0xFFFFFF00  }
0xd4: {  	_ =	swait.ge [sflag:s17], $0x100  }
0xd5: {  	[sflag:s17] =	ssyncset.done $0x0  }
0xd6: {  	[sflag:s17] =	ssyncadd.s32 $0xFFFFFF00  }
0xd7: {  	_ =	swait.ge [sflag:s18], $0x100  }
0xd8: {  	p0 =	seq.s32 s26, $0x18;
	[sflag:s18] =	ssyncset.done $0x0  }
.Ltmp4:
0xd9: {  	s28 =	sadd.s32 s28, s7;
	[sflag:s18] =	ssyncadd.s32 $0xFFFFFF00;
	(pc) =	sbr.rel @p0 .LBB2_11-.Ltmp4, $4  }
0xda: {  	[hbm4b:s28+s23] =	stream.linear.scatter [tilespmem:s19], [sflag:$0xA], $0x1000, $0x38;
	[tilespmem:$0x3900] =	vst v63  }
0xdb: {  	_ =	swait.ge [sflag:s20], $0x1000  }
0xdc: {  	[sflag:s20] =	ssyncset.done $0x0  }
0xdd: {  	s29 =	simm.s32 $0x0;
	s28 =	smov.u32 s24;
	[sflag:s20] =	ssyncadd.s32 $0xFFFFF000  }
.LBB2_7:
0xde: {  	v3 =	vmov s28  }
0xdf: {  	v3 =	vshrl.u32 v3, $0x3  }
0xe0: {  	v3 =	vshll.u32 v3, v0  }
0xe1: {  	v3 =	vbroadcast v3, $0x0;
	_ =	sdelay $0x1  }
0xe2: {  	v3 =	vor.u32 v1, v3;
	_ =	sdelay $0x4  }
0xe3: {  	v3 =	vld.idx.msk [tilespmem:v3+s3+$0x0], $0xffff  }
0xe4: {  	s30 =	sadd.s32 $0x8, s28  }
0xe5: {  	v4 =	vmov s30  }
0xe6: {  	v4 =	vshrl.u32 v4, $0x3  }
0xe7: {  	v4 =	vshll.u32 v4, v0  }
0xe8: {  	v4 =	vbroadcast v4, $0x0;
	v3 =	vshll.u32 v3, $0x1  }
0xe9: {  	v3 =	vor.u32 v2, v3  }
0xea: {  	v4 =	vor.u32 v1, v4;
	_ =	sdelay $0x1  }
0xeb: {  	s30 =	sshra.s32 s29, $0x2;
	(ifvalue) =	ssetifvalue $0xFFFFFFFF  }
0xec: {  	s31 =	sadd.s32 $0x1900, s30;
	(ifvalue) =	ssetifvalue $0xFFFFFFFF  }
0xed: {  	[tilespmem:s31], [sflag:$0x1] =	stream.indirect_vreg.gather [hbm4b:s4+s3], $0x10, v3, vm0, $0x40b8;
	[tilespmem:$0x3900] =	vst v63  }
0xee: {  	v3 =	vld.idx.msk [tilespmem:v4+s3+$0x0], $0xffff  }
0xef: {  	s31 =	sadd.s32 $0x10, s28  }
0xf0: {  	v62 =	vmov s31  }
0xf1: {  	v4 =	vshrl.u32 v62, $0x3  }
0xf2: {  	v4 =	vshll.u32 v4, v0  }
0xf3: {  	v4 =	vbroadcast v4, $0x0;
	v3 =	vshll.u32 v3, $0x1  }
0xf4: {  	v3 =	vor.u32 v2, v3  }
0xf5: {  	v4 =	vor.u32 v1, v4;
	_ =	sdelay $0x1  }
0xf6: {  	(ifvalue) =	ssetifvalue $0xFFFFFFFF  }
0xf7: {  	s31 =	sadd.s32 $0x1A00, s30;
	(ifvalue) =	ssetifvalue $0xFFFFFFFF  }
0xf8: {  	[tilespmem:s31], [sflag:$0x2] =	stream.indirect_vreg.gather [hbm4b:s4+s3], $0x10, v3, vm0, $0x40b8;
	[tilespmem:$0x3900] =	vst v63  }
0xf9: {  	v3 =	vld.idx.msk [tilespmem:v4+s3+$0x0], $0xffff  }
0xfa: {  	s31 =	sadd.s32 $0x18, s28  }
0xfb: {  	v63 =	vmov s31  }
0xfc: {  	v4 =	vshrl.u32 v63, $0x3  }
0xfd: {  	v4 =	vshll.u32 v4, v0  }
0xfe: {  	v4 =	vbroadcast v4, $0x0;
	v3 =	vshll.u32 v3, $0x1  }
0xff: {  	v3 =	vor.u32 v2, v3  }
0x100: {  	v4 =	vor.u32 v1, v4;
	_ =	sdelay $0x1  }
0x101: {  	(ifvalue) =	ssetifvalue $0xFFFFFFFF  }
0x102: {  	s31 =	sadd.s32 $0x1B00, s30;
	(ifvalue) =	ssetifvalue $0xFFFFFFFF  }
0x103: {  	[tilespmem:s31], [sflag:$0x3] =	stream.indirect_vreg.gather [hbm4b:s4+s3], $0x10, v3, vm0, $0x40b8;
	[tilespmem:$0x3900] =	vst v63  }
0x104: {  	v3 =	vld.idx.msk [tilespmem:v4+s3+$0x0], $0xffff;
	_ =	sdelay $0x4  }
0x105: {  	v3 =	vshll.u32 v3, $0x1  }
0x106: {  	p0 =	sne.s32 s29, $0x3000;
	v3 =	vor.u32 v2, v3  }
.Ltmp5:
0x107: {  	_ = 	snop;
	(pc) =	sbr.rel @p0 .LBB2_7-.Ltmp5, $4  }
0x108: {  	_ = 	snop  }
0x109: {  	s29 =	sadd.s32 $0x1000, s29;
	(ifvalue) =	ssetifvalue $0xFFFFFFFF  }
0x10a: {  	s28 =	sadd.s32 $0x20, s28;
	s30 =	sadd.s32 $0x1C00, s30;
	(ifvalue) =	ssetifvalue $0xFFFFFFFF  }
0x10b: {  	[tilespmem:s30], [sflag:$0x4] =	stream.indirect_vreg.gather [hbm4b:s4+s3], $0x10, v3, vm0, $0x40b8;
	[tilespmem:$0x3900] =	vst v63  }
0x10c: {  	_ =	swait.ge [sflag:s21], $0x1000  }
0x10d: {  	[sflag:s21] =	ssyncset.done $0x0  }
0x10e: {  	s28 =	simm.s32 $0x0;
	s29 =	smov.u32 s25;
	[sflag:s21] =	ssyncadd.s32 $0xFFFFF000  }
.LBB2_9:
0x10f: {  	v3 =	vmov s29  }
0x110: {  	v3 =	vshrl.u32 v3, $0x3  }
0x111: {  	v3 =	vshll.u32 v3, v0  }
0x112: {  	v3 =	vbroadcast v3, $0x0;
	_ =	sdelay $0x1  }
0x113: {  	v3 =	vor.u32 v1, v3;
	_ =	sdelay $0x4  }
0x114: {  	v3 =	vld.idx.msk [tilespmem:v3+s3+$0x0], $0xffff  }
0x115: {  	s30 =	sadd.s32 $0x8, s29  }
0x116: {  	v4 =	vmov s30  }
0x117: {  	v4 =	vshrl.u32 v4, $0x3  }
0x118: {  	v4 =	vshll.u32 v4, v0  }
0x119: {  	v4 =	vbroadcast v4, $0x0;
	v3 =	vshll.u32 v3, $0x1  }
0x11a: {  	v3 =	vor.u32 v2, v3  }
0x11b: {  	v4 =	vor.u32 v1, v4;
	_ =	sdelay $0x1  }
0x11c: {  	s30 =	sshra.s32 s28, $0x2;
	(ifvalue) =	ssetifvalue $0xFFFFFFFF  }
0x11d: {  	s31 =	sadd.s32 $0x2900, s30;
	(ifvalue) =	ssetifvalue $0xFFFFFFFF  }
0x11e: {  	[tilespmem:s31], [sflag:$0x5] =	stream.indirect_vreg.gather [hbm4b:s4+s3], $0x10, v3, vm0, $0x40b8;
	[tilespmem:$0x3900] =	vst v63  }
0x11f: {  	v3 =	vld.idx.msk [tilespmem:v4+s3+$0x0], $0xffff  }
0x120: {  	s31 =	sadd.s32 $0x10, s29  }
0x121: {  	v62 =	vmov s31  }
0x122: {  	v4 =	vshrl.u32 v62, $0x3  }
0x123: {  	v4 =	vshll.u32 v4, v0  }
0x124: {  	v4 =	vbroadcast v4, $0x0;
	v3 =	vshll.u32 v3, $0x1  }
0x125: {  	v3 =	vor.u32 v2, v3  }
0x126: {  	v4 =	vor.u32 v1, v4;
	_ =	sdelay $0x1  }
0x127: {  	(ifvalue) =	ssetifvalue $0xFFFFFFFF  }
0x128: {  	s31 =	sadd.s32 $0x2A00, s30;
	(ifvalue) =	ssetifvalue $0xFFFFFFFF  }
0x129: {  	[tilespmem:s31], [sflag:$0x6] =	stream.indirect_vreg.gather [hbm4b:s4+s3], $0x10, v3, vm0, $0x40b8;
	[tilespmem:$0x3900] =	vst v63  }
0x12a: {  	v3 =	vld.idx.msk [tilespmem:v4+s3+$0x0], $0xffff  }
0x12b: {  	s31 =	sadd.s32 $0x18, s29  }
0x12c: {  	v63 =	vmov s31  }
0x12d: {  	v4 =	vshrl.u32 v63, $0x3  }
0x12e: {  	v4 =	vshll.u32 v4, v0  }
0x12f: {  	v4 =	vbroadcast v4, $0x0;
	v3 =	vshll.u32 v3, $0x1  }
0x130: {  	v3 =	vor.u32 v2, v3  }
0x131: {  	v4 =	vor.u32 v1, v4;
	_ =	sdelay $0x1  }
0x132: {  	(ifvalue) =	ssetifvalue $0xFFFFFFFF  }
0x133: {  	s31 =	sadd.s32 $0x2B00, s30;
	(ifvalue) =	ssetifvalue $0xFFFFFFFF  }
0x134: {  	[tilespmem:s31], [sflag:$0x7] =	stream.indirect_vreg.gather [hbm4b:s4+s3], $0x10, v3, vm0, $0x40b8;
	[tilespmem:$0x3900] =	vst v63  }
0x135: {  	v3 =	vld.idx.msk [tilespmem:v4+s3+$0x0], $0xffff;
	_ =	sdelay $0x4  }
0x136: {  	v3 =	vshll.u32 v3, $0x1  }
0x137: {  	p0 =	sne.s32 s28, $0x3000;
	v3 =	vor.u32 v2, v3  }
.Ltmp6:
0x138: {  	_ = 	snop;
	(pc) =	sbr.rel @p0 .LBB2_9-.Ltmp6, $4  }
0x139: {  	_ = 	snop  }
0x13a: {  	s28 =	sadd.s32 $0x1000, s28;
	(ifvalue) =	ssetifvalue $0xFFFFFFFF  }
0x13b: {  	s29 =	sadd.s32 $0x20, s29;
	s30 =	sadd.s32 $0x2C00, s30;
	(ifvalue) =	ssetifvalue $0xFFFFFFFF  }
0x13c: {  	[tilespmem:s30], [sflag:$0x8] =	stream.indirect_vreg.gather [hbm4b:s4+s3], $0x10, v3, vm0, $0x40b8;
	[tilespmem:$0x3900] =	vst v63  }
.Ltmp7:
0x13d: {  	(pc) =	sbr.rel .LBB2_6-.Ltmp7, $2  }
0x13e: {  	_ =	sdelay $0x2  }
0x13f: {  	s26 =	sadd.s32 $0x1, s26;
	s24 =	sadd.s32 $0x100, s24;
	s25 =	sadd.s32 $0x100, s25  }
.LBB2_12:
0x140: {  	_ =	sfence.sel $0x180000  }
0x141: {  	[bflag:$0x0] =	sbarrier.arrive $0xFFFF  }
0x142: {  	p0 =	sne.s32 s0, $0x0;
	_ =	strace $0x90000047  }
0x143: {  	s0 =	sadd.s32 @!p0 $0x100000, s1;
	[bflag:$0x2] =	sbarrier.arrive $0xFFFF  }
0x144: {  	[sflag:s0] =	ssyncadd.tile.s32 @!p0 $0x1;
	_ =	shalt  }
.Lfunc_end2:
_tile_overlayer_lowered:
.L_overlay_start_2:
0x145: {  	(tag) =	ssettag $0x2  }
0x146: {  	s0 =	rddreg [dreg:$0x0];
	s2 =	stileid.u32  }
0x147: {  	s1 =	rddreg [dreg:$0x1];
	p0 =	sne.s32 s2, $0x0  }
0x148: {  	s3 =	rddreg [dreg:$0x2];
	[bflag:$0x3] =	sbarrier.arrive $0xFFFF;
	s2 =	simm.s32 @!p0 $0x1C0B  }
0x149: {  	[timem:s3], [sflag:s2] =	dma.local @!p0 [hbm:s0], s1  }
0x14a: {  	s0 =	simm.s32 @!p0 $0xB  }
0x14b: {  	_ =	swait.ge @!p0 [sflag:s0], s1  }
0x14c: {  	s1 =	ssub.s32 @!p0 $0x0, s1;
	[sflag:s0] =	ssyncset.done @!p0 $0x0  }
0x14d: {  	[sflag:s0] =	ssyncadd.s32 @!p0 s1  }
0x14e: {  	[bflag:$0x3] =	sbarrier.arrive $0xFFFF  }
0x14f: {  	_ =	shalt  }

</sc_bundles>
